<compile_context>
chip_gen: v7x
topology: tpu7x:2x2x1
jax: 0.10.2.dev20260603
libtpu: 0.0.44.dev20260713+nightly
codegen_flags: <defaults>
</compile_context>

<pallas_src>
import jax
import jax.numpy as jnp
from jax import lax
from jax.experimental import pallas as pl
from jax.experimental.pallas import tpu as pltpu
from jax.experimental.pallas import tpu_sc as plsc

BATCH = 8192
WIDTH = 2048
LANES = 16
NUM_CORES = 2
NUM_SUBCORES = 16
NUM_TILES = NUM_CORES * NUM_SUBCORES
ROWS_PER_TILE = BATCH // NUM_TILES
CHUNK_ROWS = 8
NUM_CHUNKS = ROWS_PER_TILE // CHUNK_ROWS
NBUF_IN = 4
NBUF_OUT = 2


def _sc_body(x_hbm, perm_hbm, y_hbm, perm_v, *bufs):
    ins = bufs[:NBUF_IN]
    outs = bufs[NBUF_IN:NBUF_IN + NBUF_OUT]
    sins = bufs[NBUF_IN + NBUF_OUT:NBUF_IN + NBUF_OUT + NBUF_IN]
    souts = bufs[NBUF_IN + NBUF_OUT + NBUF_IN:]

    wid = lax.axis_index("s") * NUM_CORES + lax.axis_index("c")
    row_base = wid * ROWS_PER_TILE
    pltpu.sync_copy(perm_hbm, perm_v)

    def in_slice(c):
        return x_hbm.at[pl.ds(row_base + c * CHUNK_ROWS, CHUNK_ROWS)]

    def out_slice(c):
        return y_hbm.at[pl.ds(row_base + c * CHUNK_ROWS, CHUNK_ROWS)]

    def permute_chunk(in_ref, out_ref):
        @plsc.parallel_loop(0, WIDTH // LANES, unroll=8)
        def _col_loop(jc):
            cv = perm_v[pl.ds(jc * LANES, LANES)]
            off = jc * LANES
            for r in range(CHUNK_ROWS):
                rv = jnp.full((LANES,), r, jnp.int32)
                vals = plsc.load_gather(in_ref, [rv, cv])
                out_ref[r, pl.ds(off, LANES)] = vals

    for b in range(NBUF_IN - 1):
        pltpu.async_copy(in_slice(b), ins[b], sins[b])

    step = max(NBUF_IN, NBUF_OUT)

    @pl.loop(0, NUM_CHUNKS, step=step)
    def _chunk_loop(c):
        for b in range(step):
            cc = c + b
            ib = b % NBUF_IN
            ob = b % NBUF_OUT
            pf = cc + NBUF_IN - 1
            pb = (b + NBUF_IN - 1) % NBUF_IN

            @pl.when(pf < NUM_CHUNKS)
            def _prefetch():
                pltpu.async_copy(in_slice(pf), ins[pb], sins[pb])

            @pl.when(cc >= NBUF_OUT)
            def _drain_out():
                pltpu.make_async_copy(outs[ob], out_slice(cc), souts[ob]).wait()

            pltpu.make_async_copy(in_slice(cc), ins[ib], sins[ib]).wait()
            permute_chunk(ins[ib], outs[ob])
            pltpu.async_copy(outs[ob], out_slice(cc), souts[ob])

    for k in range(NUM_CHUNKS - NBUF_OUT, NUM_CHUNKS):
        ob = (k % step) % NBUF_OUT
        pltpu.make_async_copy(outs[ob], out_slice(k), souts[ob]).wait()


def kernel(x, perm):
    mesh = plsc.VectorSubcoreMesh(
        core_axis_name="c", subcore_axis_name="s",
        num_cores=NUM_CORES, num_subcores=NUM_SUBCORES)
    run = pl.kernel(
        _sc_body,
        out_type=jax.ShapeDtypeStruct((BATCH, WIDTH), jnp.float32),
        mesh=mesh,
        scratch_types=(
            [pltpu.VMEM((WIDTH,), jnp.int32)]
            + [pltpu.VMEM((CHUNK_ROWS, WIDTH), jnp.float32)] * (NBUF_IN + NBUF_OUT)
            + [pltpu.SemaphoreType.DMA] * (NBUF_IN + NBUF_OUT)
        ),
        compiler_params=pltpu.CompilerParams(
            needs_layout_passes=False, use_tc_tiling_on_sc=True),
    )
    y = run(x, perm.astype(jnp.int32))
    return (y, 0.0)

# --- scband reference (transcript-rebuilt; emitter-appended) ---
"""Pipeline reference for scband-fixed-permutation-48670569398644 (READ-ONLY COPY).

The authoritative reference and input builder live on the scoring server;
editing this copy changes nothing except your own understanding.
"""

import jax, jax.numpy as jnp
import numpy as np

WIDTH = 2048
BATCH = 8192


def setup_inputs(seed: int = 0) -> dict:
    key = jax.random.key(seed)
    kx, _ = jax.random.split(key)
    x = jax.random.normal(kx, (BATCH, WIDTH), dtype=jnp.float32)
    # Fixed permutation derived from PRNGKey(0), as in the module's setup()
    perm = jax.random.permutation(jax.random.PRNGKey(0), WIDTH)
    return {"x": x, "perm": perm}


def reference(x, perm):
    # Faithful translation of FixedPermutation.__call__ with reverse=False, logdet=0.0
    # perm_inv (argsort of perm) is only used in the reverse branch; forward uses perm.
    logdet = 0.0
    y = jnp.take(x, perm, axis=1)  # x[:, perm]
    return (y, logdet)

if __name__ == "__main__":
    import jax
    _d = setup_inputs()
    print(jax.jit(kernel)(*tuple(_d.values())))

</pallas_src>

<mosaic_0001>
#map = affine_map<(d0, d1) -> (0, 0)>
#map1 = affine_map<(d0, d1) -> (0)>
module attributes {stable_mosaic.version = 14 : i64} {
  func.func @_sc_body(%arg0: i32, %arg1: i32, %arg2: memref<8192x2048xf32, #tpu.memory_space<hbm>>, %arg3: memref<2048xi32, #tpu.memory_space<hbm>>, %arg4: memref<8192x2048xf32, #tpu.memory_space<hbm>>, %arg5: memref<2048xi32, #tpu.memory_space<vmem>>, %arg6: memref<8x2048xf32, #tpu.memory_space<vmem>>, %arg7: memref<8x2048xf32, #tpu.memory_space<vmem>>, %arg8: memref<8x2048xf32, #tpu.memory_space<vmem>>, %arg9: memref<8x2048xf32, #tpu.memory_space<vmem>>, %arg10: memref<8x2048xf32, #tpu.memory_space<vmem>>, %arg11: memref<8x2048xf32, #tpu.memory_space<vmem>>, %arg12: memref<!tpu.dma_semaphore, #tpu.memory_space<semaphore_mem>>, %arg13: memref<!tpu.dma_semaphore, #tpu.memory_space<semaphore_mem>>, %arg14: memref<!tpu.dma_semaphore, #tpu.memory_space<semaphore_mem>>, %arg15: memref<!tpu.dma_semaphore, #tpu.memory_space<semaphore_mem>>, %arg16: memref<!tpu.dma_semaphore, #tpu.memory_space<semaphore_mem>>, %arg17: memref<!tpu.dma_semaphore, #tpu.memory_space<semaphore_mem>>) attributes {dimension_semantics = [#tpu.dimension_semantics<core_parallel>, #tpu.dimension_semantics<subcore_parallel>], iteration_bounds = array<i64: 2, 16>, scalar_prefetch = 0 : i64, scratch_operands = 13 : i64, tpu.core_type = #tpu.core_type<sc_vector_subcore>, window_params = [{transform_indices = #map}, {transform_indices = #map1}, {transform_indices = #map}]} {
    %mul3A = arith.constant 2 : i32
    %mul3A_0 = arith.muli %arg1, %mul3A : i32
    %add3A = arith.addi %mul3A_0, %arg0 : i32
    %mul3A_1 = arith.constant 256 : i32
    %mul3A_2 = arith.muli %add3A, %mul3A_1 : i32
    "tpu.region"() ({
      %run_scoped3A = tpu.sem_alloc : memref<!tpu.dma_semaphore, #tpu.memory_space<semaphore_mem>>
      tpu.enqueue_dma source(%arg3 : memref<2048xi32, #tpu.memory_space<hbm>>) target(%arg5 : memref<2048xi32, #tpu.memory_space<vmem>>) target_semaphore(%run_scoped3A : memref<!tpu.dma_semaphore, #tpu.memory_space<semaphore_mem>>)
      tpu.wait_dma2 semaphore(%run_scoped3A : memref<!tpu.dma_semaphore, #tpu.memory_space<semaphore_mem>>) src(%arg3 : memref<2048xi32, #tpu.memory_space<hbm>>) dst(%arg5 : memref<2048xi32, #tpu.memory_space<vmem>>)
      tpu.yield
    }) : () -> ()
    %add3A_3 = arith.constant 0 : i32
    %add3A_4 = arith.addi %mul3A_2, %add3A_3 : i32
    %dma_start3A = arith.constant 0 : i32
    %dma_start3A_5 = tpu.memref_slice %arg2[%add3A_4, %dma_start3A] : memref<8192x2048xf32, #tpu.memory_space<hbm>> -> memref<8x2048xf32, #tpu.memory_space<hbm>>
    %dma_start3A_6 = arith.constant 0 : i32
    %dma_start3A_7 = tpu.memref_slice %arg2[%add3A_4, %dma_start3A_6] : memref<8192x2048xf32, #tpu.memory_space<hbm>> -> memref<8x2048xf32, #tpu.memory_space<hbm>>
    tpu.enqueue_dma source(%dma_start3A_7 : memref<8x2048xf32, #tpu.memory_space<hbm>>) target(%arg6 : memref<8x2048xf32, #tpu.memory_space<vmem>>) target_semaphore(%arg12 : memref<!tpu.dma_semaphore, #tpu.memory_space<semaphore_mem>>)
    %add3A_8 = arith.constant 8 : i32
    %add3A_9 = arith.addi %mul3A_2, %add3A_8 : i32
    %dma_start3A_10 = arith.constant 0 : i32
    %dma_start3A_11 = tpu.memref_slice %arg2[%add3A_9, %dma_start3A_10] : memref<8192x2048xf32, #tpu.memory_space<hbm>> -> memref<8x2048xf32, #tpu.memory_space<hbm>>
    %dma_start3A_12 = arith.constant 0 : i32
    %dma_start3A_13 = tpu.memref_slice %arg2[%add3A_9, %dma_start3A_12] : memref<8192x2048xf32, #tpu.memory_space<hbm>> -> memref<8x2048xf32, #tpu.memory_space<hbm>>
    tpu.enqueue_dma source(%dma_start3A_13 : memref<8x2048xf32, #tpu.memory_space<hbm>>) target(%arg7 : memref<8x2048xf32, #tpu.memory_space<vmem>>) target_semaphore(%arg13 : memref<!tpu.dma_semaphore, #tpu.memory_space<semaphore_mem>>)
    %add3A_14 = arith.constant 16 : i32
    %add3A_15 = arith.addi %mul3A_2, %add3A_14 : i32
    %dma_start3A_16 = arith.constant 0 : i32
    %dma_start3A_17 = tpu.memref_slice %arg2[%add3A_15, %dma_start3A_16] : memref<8192x2048xf32, #tpu.memory_space<hbm>> -> memref<8x2048xf32, #tpu.memory_space<hbm>>
    %dma_start3A_18 = arith.constant 0 : i32
    %dma_start3A_19 = tpu.memref_slice %arg2[%add3A_15, %dma_start3A_18] : memref<8192x2048xf32, #tpu.memory_space<hbm>> -> memref<8x2048xf32, #tpu.memory_space<hbm>>
    tpu.enqueue_dma source(%dma_start3A_19 : memref<8x2048xf32, #tpu.memory_space<hbm>>) target(%arg8 : memref<8x2048xf32, #tpu.memory_space<vmem>>) target_semaphore(%arg14 : memref<!tpu.dma_semaphore, #tpu.memory_space<semaphore_mem>>)
    %scan3A = arith.constant 0 : i32
    %scan3A_20 = arith.constant 8 : i32
    %scan3A_21 = arith.addi %scan3A, %scan3A_20 : i32
    %scan3A_22 = arith.constant 1 : i32
    scf.for %scan3A_35 = %scan3A to %scan3A_21 step %scan3A_22  : i32 {
      %mul3A_36 = arith.constant 4 : i32
      %mul3A_37 = arith.muli %scan3A_35, %mul3A_36 : i32
      %add3A_38 = arith.constant 0 : i32
      %add3A_39 = arith.addi %add3A_38, %mul3A_37 : i32
      %add3A_40 = arith.constant 0 : i32
      %add3A_41 = arith.addi %add3A_39, %add3A_40 : i32
      %add3A_42 = arith.constant 4 : i32
      %add3A_43 = arith.addi %add3A_41, %add3A_42 : i32
      %sub3A = arith.constant 1 : i32
      %sub3A_44 = arith.subi %add3A_43, %sub3A : i32
      %lt3A = arith.constant 32 : i32
      %lt3A_45 = arith.cmpi slt, %sub3A_44, %lt3A : i32
      %convert_element_type3A = arith.extui %lt3A_45 : i1 to i32
      %cond3A = arith.constant 0 : i32
      %cond3A_46 = arith.cmpi ne, %convert_element_type3A, %cond3A : i32
      scf.if %cond3A_46 {
        %mul3A_166 = arith.constant 8 : i32
        %mul3A_167 = arith.muli %sub3A_44, %mul3A_166 : i32
        %add3A_168 = arith.addi %mul3A_2, %mul3A_167 : i32
        %dma_start3A_169 = arith.constant 0 : i32
        %dma_start3A_170 = tpu.memref_slice %arg2[%add3A_168, %dma_start3A_169] : memref<8192x2048xf32, #tpu.memory_space<hbm>> -> memref<8x2048xf32, #tpu.memory_space<hbm>>
        %dma_start3A_171 = arith.constant 0 : i32
        %dma_start3A_172 = tpu.memref_slice %arg2[%add3A_168, %dma_start3A_171] : memref<8192x2048xf32, #tpu.memory_space<hbm>> -> memref<8x2048xf32, #tpu.memory_space<hbm>>
        tpu.enqueue_dma source(%dma_start3A_172 : memref<8x2048xf32, #tpu.memory_space<hbm>>) target(%arg9 : memref<8x2048xf32, #tpu.memory_space<vmem>>) target_semaphore(%arg15 : memref<!tpu.dma_semaphore, #tpu.memory_space<semaphore_mem>>)
      } else {
      }
      %ge3A = arith.constant 2 : i32
      %ge3A_47 = arith.cmpi sge, %add3A_41, %ge3A : i32
      %convert_element_type3A_48 = arith.extui %ge3A_47 : i1 to i32
      %cond3A_49 = arith.constant 0 : i32
      %cond3A_50 = arith.cmpi ne, %convert_element_type3A_48, %cond3A_49 : i32
      scf.if %cond3A_50 {
        %mul3A_166 = arith.constant 8 : i32
        %mul3A_167 = arith.muli %add3A_41, %mul3A_166 : i32
        %add3A_168 = arith.addi %mul3A_2, %mul3A_167 : i32
        %dma_wait3A_169 = arith.constant 0 : i32
        %dma_wait3A_170 = tpu.memref_slice %arg4[%add3A_168, %dma_wait3A_169] : memref<8192x2048xf32, #tpu.memory_space<hbm>> -> memref<8x2048xf32, #tpu.memory_space<hbm>>
        %dma_wait3A_171 = arith.constant 0 : i32
        %dma_wait3A_172 = tpu.memref_slice %arg4[%add3A_168, %dma_wait3A_171] : memref<8192x2048xf32, #tpu.memory_space<hbm>> -> memref<8x2048xf32, #tpu.memory_space<hbm>>
        tpu.wait_dma2 semaphore(%arg16 : memref<!tpu.dma_semaphore, #tpu.memory_space<semaphore_mem>>) src(%arg10 : memref<8x2048xf32, #tpu.memory_space<vmem>>) dst(%dma_wait3A_172 : memref<8x2048xf32, #tpu.memory_space<hbm>>)
      } else {
      }
      %mul3A_51 = arith.constant 8 : i32
      %mul3A_52 = arith.muli %add3A_41, %mul3A_51 : i32
      %add3A_53 = arith.addi %mul3A_2, %mul3A_52 : i32
      %dma_wait3A_54 = arith.constant 0 : i32
      %dma_wait3A_55 = tpu.memref_slice %arg2[%add3A_53, %dma_wait3A_54] : memref<8192x2048xf32, #tpu.memory_space<hbm>> -> memref<8x2048xf32, #tpu.memory_space<hbm>>
      %dma_wait3A_56 = arith.constant 0 : i32
      %dma_wait3A_57 = tpu.memref_slice %arg2[%add3A_53, %dma_wait3A_56] : memref<8192x2048xf32, #tpu.memory_space<hbm>> -> memref<8x2048xf32, #tpu.memory_space<hbm>>
      tpu.wait_dma2 semaphore(%arg12 : memref<!tpu.dma_semaphore, #tpu.memory_space<semaphore_mem>>) src(%dma_wait3A_57 : memref<8x2048xf32, #tpu.memory_space<hbm>>) dst(%arg6 : memref<8x2048xf32, #tpu.memory_space<vmem>>)
      %parallel_loop3A = arith.constant 0 : i32
      %parallel_loop3A_58 = arith.constant 128 : i32
      %parallel_loop3A_59 = arith.constant 1 : i32
      scf.for %parallel_loop3A_166 = %parallel_loop3A to %parallel_loop3A_58 step %parallel_loop3A_59  : i32 {
        %parallel_loop3A_167 = arith.constant 16 : i32
        %parallel_loop3A_168 = arith.muli %parallel_loop3A_166, %parallel_loop3A_167 : i32
        %parallel_loop3A_169 = arith.index_cast %parallel_loop3A_168 : i32 to index
        %parallel_loop3A_170 = tpu.vector_load %arg5[%parallel_loop3A_169] {strides = array<i32>} : memref<2048xi32, #tpu.memory_space<vmem>>, vector<16xi32>,
        %parallel_loop3A_171 = arith.constant 16 : i32
        %parallel_loop3A_172 = arith.muli %parallel_loop3A_166, %parallel_loop3A_171 : i32
        %parallel_loop3A_173 = arith.constant 0 : i32
        %parallel_loop3A_174 = vector.broadcast %parallel_loop3A_173 : i32 to vector<16xi32>
        %parallel_loop3A_175 = tpu.vector_load_idx %arg6[%parallel_loop3A_174, %parallel_loop3A_170] : memref<8x2048xf32, #tpu.memory_space<vmem>>[vector<16xi32>, vector<16xi32>], vector<16xf32>,
        %parallel_loop3A_176 = arith.constant 0 : i32
        %parallel_loop3A_177 = arith.index_cast %parallel_loop3A_176 : i32 to index
        %parallel_loop3A_178 = arith.index_cast %parallel_loop3A_172 : i32 to index
        %parallel_loop3A_179 = tpu.vector_load %arg10[%parallel_loop3A_177, %parallel_loop3A_178] {strides = array<i32>} : memref<8x2048xf32, #tpu.memory_space<vmem>>, vector<16xf32>,
        tpu.vector_store %arg10[%parallel_loop3A_177, %parallel_loop3A_178], %parallel_loop3A_175 {strides = array<i32>} : memref<8x2048xf32, #tpu.memory_space<vmem>>, vector<16xf32>,
        %parallel_loop3A_180 = arith.constant 1 : i32
        %parallel_loop3A_181 = vector.broadcast %parallel_loop3A_180 : i32 to vector<16xi32>
        %parallel_loop3A_182 = tpu.vector_load_idx %arg6[%parallel_loop3A_181, %parallel_loop3A_170] : memref<8x2048xf32, #tpu.memory_space<vmem>>[vector<16xi32>, vector<16xi32>], vector<16xf32>,
        %parallel_loop3A_183 = arith.constant 1 : i32
        %parallel_loop3A_184 = arith.index_cast %parallel_loop3A_183 : i32 to index
        %parallel_loop3A_185 = arith.index_cast %parallel_loop3A_172 : i32 to index
        %parallel_loop3A_186 = tpu.vector_load %arg10[%parallel_loop3A_184, %parallel_loop3A_185] {strides = array<i32>} : memref<8x2048xf32, #tpu.memory_space<vmem>>, vector<16xf32>,
        tpu.vector_store %arg10[%parallel_loop3A_184, %parallel_loop3A_185], %parallel_loop3A_182 {strides = array<i32>} : memref<8x2048xf32, #tpu.memory_space<vmem>>, vector<16xf32>,
        %parallel_loop3A_187 = arith.constant 2 : i32
        %parallel_loop3A_188 = vector.broadcast %parallel_loop3A_187 : i32 to vector<16xi32>
        %parallel_loop3A_189 = tpu.vector_load_idx %arg6[%parallel_loop3A_188, %parallel_loop3A_170] : memref<8x2048xf32, #tpu.memory_space<vmem>>[vector<16xi32>, vector<16xi32>], vector<16xf32>,
        %parallel_loop3A_190 = arith.constant 2 : i32
        %parallel_loop3A_191 = arith.index_cast %parallel_loop3A_190 : i32 to index
        %parallel_loop3A_192 = arith.index_cast %parallel_loop3A_172 : i32 to index
        %parallel_loop3A_193 = tpu.vector_load %arg10[%parallel_loop3A_191, %parallel_loop3A_192] {strides = array<i32>} : memref<8x2048xf32, #tpu.memory_space<vmem>>, vector<16xf32>,
        tpu.vector_store %arg10[%parallel_loop3A_191, %parallel_loop3A_192], %parallel_loop3A_189 {strides = array<i32>} : memref<8x2048xf32, #tpu.memory_space<vmem>>, vector<16xf32>,
        %parallel_loop3A_194 = arith.constant 3 : i32
        %parallel_loop3A_195 = vector.broadcast %parallel_loop3A_194 : i32 to vector<16xi32>
        %parallel_loop3A_196 = tpu.vector_load_idx %arg6[%parallel_loop3A_195, %parallel_loop3A_170] : memref<8x2048xf32, #tpu.memory_space<vmem>>[vector<16xi32>, vector<16xi32>], vector<16xf32>,
        %parallel_loop3A_197 = arith.constant 3 : i32
        %parallel_loop3A_198 = arith.index_cast %parallel_loop3A_197 : i32 to index
        %parallel_loop3A_199 = arith.index_cast %parallel_loop3A_172 : i32 to index
        %parallel_loop3A_200 = tpu.vector_load %arg10[%parallel_loop3A_198, %parallel_loop3A_199] {strides = array<i32>} : memref<8x2048xf32, #tpu.memory_space<vmem>>, vector<16xf32>,
        tpu.vector_store %arg10[%parallel_loop3A_198, %parallel_loop3A_199], %parallel_loop3A_196 {strides = array<i32>} : memref<8x2048xf32, #tpu.memory_space<vmem>>, vector<16xf32>,
        %parallel_loop3A_201 = arith.constant 4 : i32
        %parallel_loop3A_202 = vector.broadcast %parallel_loop3A_201 : i32 to vector<16xi32>
        %parallel_loop3A_203 = tpu.vector_load_idx %arg6[%parallel_loop3A_202, %parallel_loop3A_170] : memref<8x2048xf32, #tpu.memory_space<vmem>>[vector<16xi32>, vector<16xi32>], vector<16xf32>,
        %parallel_loop3A_204 = arith.constant 4 : i32
        %parallel_loop3A_205 = arith.index_cast %parallel_loop3A_204 : i32 to index
        %parallel_loop3A_206 = arith.index_cast %parallel_loop3A_172 : i32 to index
        %parallel_loop3A_207 = tpu.vector_load %arg10[%parallel_loop3A_205, %parallel_loop3A_206] {strides = array<i32>} : memref<8x2048xf32, #tpu.memory_space<vmem>>, vector<16xf32>,
        tpu.vector_store %arg10[%parallel_loop3A_205, %parallel_loop3A_206], %parallel_loop3A_203 {strides = array<i32>} : memref<8x2048xf32, #tpu.memory_space<vmem>>, vector<16xf32>,
        %parallel_loop3A_208 = arith.constant 5 : i32
        %parallel_loop3A_209 = vector.broadcast %parallel_loop3A_208 : i32 to vector<16xi32>
        %parallel_loop3A_210 = tpu.vector_load_idx %arg6[%parallel_loop3A_209, %parallel_loop3A_170] : memref<8x2048xf32, #tpu.memory_space<vmem>>[vector<16xi32>, vector<16xi32>], vector<16xf32>,
        %parallel_loop3A_211 = arith.constant 5 : i32
        %parallel_loop3A_212 = arith.index_cast %parallel_loop3A_211 : i32 to index
        %parallel_loop3A_213 = arith.index_cast %parallel_loop3A_172 : i32 to index
        %parallel_loop3A_214 = tpu.vector_load %arg10[%parallel_loop3A_212, %parallel_loop3A_213] {strides = array<i32>} : memref<8x2048xf32, #tpu.memory_space<vmem>>, vector<16xf32>,
        tpu.vector_store %arg10[%parallel_loop3A_212, %parallel_loop3A_213], %parallel_loop3A_210 {strides = array<i32>} : memref<8x2048xf32, #tpu.memory_space<vmem>>, vector<16xf32>,
        %parallel_loop3A_215 = arith.constant 6 : i32
        %parallel_loop3A_216 = vector.broadcast %parallel_loop3A_215 : i32 to vector<16xi32>
        %parallel_loop3A_217 = tpu.vector_load_idx %arg6[%parallel_loop3A_216, %parallel_loop3A_170] : memref<8x2048xf32, #tpu.memory_space<vmem>>[vector<16xi32>, vector<16xi32>], vector<16xf32>,
        %parallel_loop3A_218 = arith.constant 6 : i32
        %parallel_loop3A_219 = arith.index_cast %parallel_loop3A_218 : i32 to index
        %parallel_loop3A_220 = arith.index_cast %parallel_loop3A_172 : i32 to index
        %parallel_loop3A_221 = tpu.vector_load %arg10[%parallel_loop3A_219, %parallel_loop3A_220] {strides = array<i32>} : memref<8x2048xf32, #tpu.memory_space<vmem>>, vector<16xf32>,
        tpu.vector_store %arg10[%parallel_loop3A_219, %parallel_loop3A_220], %parallel_loop3A_217 {strides = array<i32>} : memref<8x2048xf32, #tpu.memory_space<vmem>>, vector<16xf32>,
        %parallel_loop3A_222 = arith.constant 7 : i32
        %parallel_loop3A_223 = vector.broadcast %parallel_loop3A_222 : i32 to vector<16xi32>
        %parallel_loop3A_224 = tpu.vector_load_idx %arg6[%parallel_loop3A_223, %parallel_loop3A_170] : memref<8x2048xf32, #tpu.memory_space<vmem>>[vector<16xi32>, vector<16xi32>], vector<16xf32>,
        %parallel_loop3A_225 = arith.constant 7 : i32
        %parallel_loop3A_226 = arith.index_cast %parallel_loop3A_225 : i32 to index
        %parallel_loop3A_227 = arith.index_cast %parallel_loop3A_172 : i32 to index
        %parallel_loop3A_228 = tpu.vector_load %arg10[%parallel_loop3A_226, %parallel_loop3A_227] {strides = array<i32>} : memref<8x2048xf32, #tpu.memory_space<vmem>>, vector<16xf32>,
        tpu.vector_store %arg10[%parallel_loop3A_226, %parallel_loop3A_227], %parallel_loop3A_224 {strides = array<i32>} : memref<8x2048xf32, #tpu.memory_space<vmem>>, vector<16xf32>,
      } {sc.loop_unroll_factor = 8 : i64, sc.parallel_access}
      %mul3A_60 = arith.constant 8 : i32
      %mul3A_61 = arith.muli %add3A_41, %mul3A_60 : i32
      %add3A_62 = arith.addi %mul3A_2, %mul3A_61 : i32
      %dma_start3A_63 = arith.constant 0 : i32
      %dma_start3A_64 = tpu.memref_slice %arg4[%add3A_62, %dma_start3A_63] : memref<8192x2048xf32, #tpu.memory_space<hbm>> -> memref<8x2048xf32, #tpu.memory_space<hbm>>
      %dma_start3A_65 = arith.constant 0 : i32
      %dma_start3A_66 = tpu.memref_slice %arg4[%add3A_62, %dma_start3A_65] : memref<8192x2048xf32, #tpu.memory_space<hbm>> -> memref<8x2048xf32, #tpu.memory_space<hbm>>
      tpu.enqueue_dma source(%arg10 : memref<8x2048xf32, #tpu.memory_space<vmem>>) target(%dma_start3A_66 : memref<8x2048xf32, #tpu.memory_space<hbm>>) target_semaphore(%arg16 : memref<!tpu.dma_semaphore, #tpu.memory_space<semaphore_mem>>)
      %add3A_67 = arith.constant 1 : i32
      %add3A_68 = arith.addi %add3A_39, %add3A_67 : i32
      %add3A_69 = arith.constant 4 : i32
      %add3A_70 = arith.addi %add3A_68, %add3A_69 : i32
      %sub3A_71 = arith.constant 1 : i32
      %sub3A_72 = arith.subi %add3A_70, %sub3A_71 : i32
      %lt3A_73 = arith.constant 32 : i32
      %lt3A_74 = arith.cmpi slt, %sub3A_72, %lt3A_73 : i32
      %convert_element_type3A_75 = arith.extui %lt3A_74 : i1 to i32
      %cond3A_76 = arith.constant 0 : i32
      %cond3A_77 = arith.cmpi ne, %convert_element_type3A_75, %cond3A_76 : i32
      scf.if %cond3A_77 {
        %mul3A_166 = arith.constant 8 : i32
        %mul3A_167 = arith.muli %sub3A_72, %mul3A_166 : i32
        %add3A_168 = arith.addi %mul3A_2, %mul3A_167 : i32
        %dma_start3A_169 = arith.constant 0 : i32
        %dma_start3A_170 = tpu.memref_slice %arg2[%add3A_168, %dma_start3A_169] : memref<8192x2048xf32, #tpu.memory_space<hbm>> -> memref<8x2048xf32, #tpu.memory_space<hbm>>
        %dma_start3A_171 = arith.constant 0 : i32
        %dma_start3A_172 = tpu.memref_slice %arg2[%add3A_168, %dma_start3A_171] : memref<8192x2048xf32, #tpu.memory_space<hbm>> -> memref<8x2048xf32, #tpu.memory_space<hbm>>
        tpu.enqueue_dma source(%dma_start3A_172 : memref<8x2048xf32, #tpu.memory_space<hbm>>) target(%arg6 : memref<8x2048xf32, #tpu.memory_space<vmem>>) target_semaphore(%arg12 : memref<!tpu.dma_semaphore, #tpu.memory_space<semaphore_mem>>)
      } else {
      }
      %ge3A_78 = arith.constant 2 : i32
      %ge3A_79 = arith.cmpi sge, %add3A_68, %ge3A_78 : i32
      %convert_element_type3A_80 = arith.extui %ge3A_79 : i1 to i32
      %cond3A_81 = arith.constant 0 : i32
      %cond3A_82 = arith.cmpi ne, %convert_element_type3A_80, %cond3A_81 : i32
      scf.if %cond3A_82 {
        %mul3A_166 = arith.constant 8 : i32
        %mul3A_167 = arith.muli %add3A_68, %mul3A_166 : i32
        %add3A_168 = arith.addi %mul3A_2, %mul3A_167 : i32
        %dma_wait3A_169 = arith.constant 0 : i32
        %dma_wait3A_170 = tpu.memref_slice %arg4[%add3A_168, %dma_wait3A_169] : memref<8192x2048xf32, #tpu.memory_space<hbm>> -> memref<8x2048xf32, #tpu.memory_space<hbm>>
        %dma_wait3A_171 = arith.constant 0 : i32
        %dma_wait3A_172 = tpu.memref_slice %arg4[%add3A_168, %dma_wait3A_171] : memref<8192x2048xf32, #tpu.memory_space<hbm>> -> memref<8x2048xf32, #tpu.memory_space<hbm>>
        tpu.wait_dma2 semaphore(%arg17 : memref<!tpu.dma_semaphore, #tpu.memory_space<semaphore_mem>>) src(%arg11 : memref<8x2048xf32, #tpu.memory_space<vmem>>) dst(%dma_wait3A_172 : memref<8x2048xf32, #tpu.memory_space<hbm>>)
      } else {
      }
      %mul3A_83 = arith.constant 8 : i32
      %mul3A_84 = arith.muli %add3A_68, %mul3A_83 : i32
      %add3A_85 = arith.addi %mul3A_2, %mul3A_84 : i32
      %dma_wait3A_86 = arith.constant 0 : i32
      %dma_wait3A_87 = tpu.memref_slice %arg2[%add3A_85, %dma_wait3A_86] : memref<8192x2048xf32, #tpu.memory_space<hbm>> -> memref<8x2048xf32, #tpu.memory_space<hbm>>
      %dma_wait3A_88 = arith.constant 0 : i32
      %dma_wait3A_89 = tpu.memref_slice %arg2[%add3A_85, %dma_wait3A_88] : memref<8192x2048xf32, #tpu.memory_space<hbm>> -> memref<8x2048xf32, #tpu.memory_space<hbm>>
      tpu.wait_dma2 semaphore(%arg13 : memref<!tpu.dma_semaphore, #tpu.memory_space<semaphore_mem>>) src(%dma_wait3A_89 : memref<8x2048xf32, #tpu.memory_space<hbm>>) dst(%arg7 : memref<8x2048xf32, #tpu.memory_space<vmem>>)
      %parallel_loop3A_90 = arith.constant 0 : i32
      %parallel_loop3A_91 = arith.constant 128 : i32
      %parallel_loop3A_92 = arith.constant 1 : i32
      scf.for %parallel_loop3A_166 = %parallel_loop3A_90 to %parallel_loop3A_91 step %parallel_loop3A_92  : i32 {
        %parallel_loop3A_167 = arith.constant 16 : i32
        %parallel_loop3A_168 = arith.muli %parallel_loop3A_166, %parallel_loop3A_167 : i32
        %parallel_loop3A_169 = arith.index_cast %parallel_loop3A_168 : i32 to index
        %parallel_loop3A_170 = tpu.vector_load %arg5[%parallel_loop3A_169] {strides = array<i32>} : memref<2048xi32, #tpu.memory_space<vmem>>, vector<16xi32>,
        %parallel_loop3A_171 = arith.constant 16 : i32
        %parallel_loop3A_172 = arith.muli %parallel_loop3A_166, %parallel_loop3A_171 : i32
        %parallel_loop3A_173 = arith.constant 0 : i32
        %parallel_loop3A_174 = vector.broadcast %parallel_loop3A_173 : i32 to vector<16xi32>
        %parallel_loop3A_175 = tpu.vector_load_idx %arg7[%parallel_loop3A_174, %parallel_loop3A_170] : memref<8x2048xf32, #tpu.memory_space<vmem>>[vector<16xi32>, vector<16xi32>], vector<16xf32>,
        %parallel_loop3A_176 = arith.constant 0 : i32
        %parallel_loop3A_177 = arith.index_cast %parallel_loop3A_176 : i32 to index
        %parallel_loop3A_178 = arith.index_cast %parallel_loop3A_172 : i32 to index
        %parallel_loop3A_179 = tpu.vector_load %arg11[%parallel_loop3A_177, %parallel_loop3A_178] {strides = array<i32>} : memref<8x2048xf32, #tpu.memory_space<vmem>>, vector<16xf32>,
        tpu.vector_store %arg11[%parallel_loop3A_177, %parallel_loop3A_178], %parallel_loop3A_175 {strides = array<i32>} : memref<8x2048xf32, #tpu.memory_space<vmem>>, vector<16xf32>,
        %parallel_loop3A_180 = arith.constant 1 : i32
        %parallel_loop3A_181 = vector.broadcast %parallel_loop3A_180 : i32 to vector<16xi32>
        %parallel_loop3A_182 = tpu.vector_load_idx %arg7[%parallel_loop3A_181, %parallel_loop3A_170] : memref<8x2048xf32, #tpu.memory_space<vmem>>[vector<16xi32>, vector<16xi32>], vector<16xf32>,
        %parallel_loop3A_183 = arith.constant 1 : i32
        %parallel_loop3A_184 = arith.index_cast %parallel_loop3A_183 : i32 to index
        %parallel_loop3A_185 = arith.index_cast %parallel_loop3A_172 : i32 to index
        %parallel_loop3A_186 = tpu.vector_load %arg11[%parallel_loop3A_184, %parallel_loop3A_185] {strides = array<i32>} : memref<8x2048xf32, #tpu.memory_space<vmem>>, vector<16xf32>,
        tpu.vector_store %arg11[%parallel_loop3A_184, %parallel_loop3A_185], %parallel_loop3A_182 {strides = array<i32>} : memref<8x2048xf32, #tpu.memory_space<vmem>>, vector<16xf32>,
        %parallel_loop3A_187 = arith.constant 2 : i32
        %parallel_loop3A_188 = vector.broadcast %parallel_loop3A_187 : i32 to vector<16xi32>
        %parallel_loop3A_189 = tpu.vector_load_idx %arg7[%parallel_loop3A_188, %parallel_loop3A_170] : memref<8x2048xf32, #tpu.memory_space<vmem>>[vector<16xi32>, vector<16xi32>], vector<16xf32>,
        %parallel_loop3A_190 = arith.constant 2 : i32
        %parallel_loop3A_191 = arith.index_cast %parallel_loop3A_190 : i32 to index
        %parallel_loop3A_192 = arith.index_cast %parallel_loop3A_172 : i32 to index
        %parallel_loop3A_193 = tpu.vector_load %arg11[%parallel_loop3A_191, %parallel_loop3A_192] {strides = array<i32>} : memref<8x2048xf32, #tpu.memory_space<vmem>>, vector<16xf32>,
        tpu.vector_store %arg11[%parallel_loop3A_191, %parallel_loop3A_192], %parallel_loop3A_189 {strides = array<i32>} : memref<8x2048xf32, #tpu.memory_space<vmem>>, vector<16xf32>,
        %parallel_loop3A_194 = arith.constant 3 : i32
        %parallel_loop3A_195 = vector.broadcast %parallel_loop3A_194 : i32 to vector<16xi32>
        %parallel_loop3A_196 = tpu.vector_load_idx %arg7[%parallel_loop3A_195, %parallel_loop3A_170] : memref<8x2048xf32, #tpu.memory_space<vmem>>[vector<16xi32>, vector<16xi32>], vector<16xf32>,
        %parallel_loop3A_197 = arith.constant 3 : i32
        %parallel_loop3A_198 = arith.index_cast %parallel_loop3A_197 : i32 to index
        %parallel_loop3A_199 = arith.index_cast %parallel_loop3A_172 : i32 to index
        %parallel_loop3A_200 = tpu.vector_load %arg11[%parallel_loop3A_198, %parallel_loop3A_199] {strides = array<i32>} : memref<8x2048xf32, #tpu.memory_space<vmem>>, vector<16xf32>,
        tpu.vector_store %arg11[%parallel_loop3A_198, %parallel_loop3A_199], %parallel_loop3A_196 {strides = array<i32>} : memref<8x2048xf32, #tpu.memory_space<vmem>>, vector<16xf32>,
        %parallel_loop3A_201 = arith.constant 4 : i32
        %parallel_loop3A_202 = vector.broadcast %parallel_loop3A_201 : i32 to vector<16xi32>
        %parallel_loop3A_203 = tpu.vector_load_idx %arg7[%parallel_loop3A_202, %parallel_loop3A_170] : memref<8x2048xf32, #tpu.memory_space<vmem>>[vector<16xi32>, vector<16xi32>], vector<16xf32>,
        %parallel_loop3A_204 = arith.constant 4 : i32
        %parallel_loop3A_205 = arith.index_cast %parallel_loop3A_204 : i32 to index
        %parallel_loop3A_206 = arith.index_cast %parallel_loop3A_172 : i32 to index
        %parallel_loop3A_207 = tpu.vector_load %arg11[%parallel_loop3A_205, %parallel_loop3A_206] {strides = array<i32>} : memref<8x2048xf32, #tpu.memory_space<vmem>>, vector<16xf32>,
        tpu.vector_store %arg11[%parallel_loop3A_205, %parallel_loop3A_206], %parallel_loop3A_203 {strides = array<i32>} : memref<8x2048xf32, #tpu.memory_space<vmem>>, vector<16xf32>,
        %parallel_loop3A_208 = arith.constant 5 : i32
        %parallel_loop3A_209 = vector.broadcast %parallel_loop3A_208 : i32 to vector<16xi32>
        %parallel_loop3A_210 = tpu.vector_load_idx %arg7[%parallel_loop3A_209, %parallel_loop3A_170] : memref<8x2048xf32, #tpu.memory_space<vmem>>[vector<16xi32>, vector<16xi32>], vector<16xf32>,
        %parallel_loop3A_211 = arith.constant 5 : i32
        %parallel_loop3A_212 = arith.index_cast %parallel_loop3A_211 : i32 to index
        %parallel_loop3A_213 = arith.index_cast %parallel_loop3A_172 : i32 to index
        %parallel_loop3A_214 = tpu.vector_load %arg11[%parallel_loop3A_212, %parallel_loop3A_213] {strides = array<i32>} : memref<8x2048xf32, #tpu.memory_space<vmem>>, vector<16xf32>,
        tpu.vector_store %arg11[%parallel_loop3A_212, %parallel_loop3A_213], %parallel_loop3A_210 {strides = array<i32>} : memref<8x2048xf32, #tpu.memory_space<vmem>>, vector<16xf32>,
        %parallel_loop3A_215 = arith.constant 6 : i32
        %parallel_loop3A_216 = vector.broadcast %parallel_loop3A_215 : i32 to vector<16xi32>
        %parallel_loop3A_217 = tpu.vector_load_idx %arg7[%parallel_loop3A_216, %parallel_loop3A_170] : memref<8x2048xf32, #tpu.memory_space<vmem>>[vector<16xi32>, vector<16xi32>], vector<16xf32>,
        %parallel_loop3A_218 = arith.constant 6 : i32
        %parallel_loop3A_219 = arith.index_cast %parallel_loop3A_218 : i32 to index
        %parallel_loop3A_220 = arith.index_cast %parallel_loop3A_172 : i32 to index
        %parallel_loop3A_221 = tpu.vector_load %arg11[%parallel_loop3A_219, %parallel_loop3A_220] {strides = array<i32>} : memref<8x2048xf32, #tpu.memory_space<vmem>>, vector<16xf32>,
        tpu.vector_store %arg11[%parallel_loop3A_219, %parallel_loop3A_220], %parallel_loop3A_217 {strides = array<i32>} : memref<8x2048xf32, #tpu.memory_space<vmem>>, vector<16xf32>,
        %parallel_loop3A_222 = arith.constant 7 : i32
        %parallel_loop3A_223 = vector.broadcast %parallel_loop3A_222 : i32 to vector<16xi32>
        %parallel_loop3A_224 = tpu.vector_load_idx %arg7[%parallel_loop3A_223, %parallel_loop3A_170] : memref<8x2048xf32, #tpu.memory_space<vmem>>[vector<16xi32>, vector<16xi32>], vector<16xf32>,
        %parallel_loop3A_225 = arith.constant 7 : i32
        %parallel_loop3A_226 = arith.index_cast %parallel_loop3A_225 : i32 to index
        %parallel_loop3A_227 = arith.index_cast %parallel_loop3A_172 : i32 to index
        %parallel_loop3A_228 = tpu.vector_load %arg11[%parallel_loop3A_226, %parallel_loop3A_227] {strides = array<i32>} : memref<8x2048xf32, #tpu.memory_space<vmem>>, vector<16xf32>,
        tpu.vector_store %arg11[%parallel_loop3A_226, %parallel_loop3A_227], %parallel_loop3A_224 {strides = array<i32>} : memref<8x2048xf32, #tpu.memory_space<vmem>>, vector<16xf32>,
      } {sc.loop_unroll_factor = 8 : i64, sc.parallel_access}
      %mul3A_93 = arith.constant 8 : i32
      %mul3A_94 = arith.muli %add3A_68, %mul3A_93 : i32
      %add3A_95 = arith.addi %mul3A_2, %mul3A_94 : i32
      %dma_start3A_96 = arith.constant 0 : i32
      %dma_start3A_97 = tpu.memref_slice %arg4[%add3A_95, %dma_start3A_96] : memref<8192x2048xf32, #tpu.memory_space<hbm>> -> memref<8x2048xf32, #tpu.memory_space<hbm>>
      %dma_start3A_98 = arith.constant 0 : i32
      %dma_start3A_99 = tpu.memref_slice %arg4[%add3A_95, %dma_start3A_98] : memref<8192x2048xf32, #tpu.memory_space<hbm>> -> memref<8x2048xf32, #tpu.memory_space<hbm>>
      tpu.enqueue_dma source(%arg11 : memref<8x2048xf32, #tpu.memory_space<vmem>>) target(%dma_start3A_99 : memref<8x2048xf32, #tpu.memory_space<hbm>>) target_semaphore(%arg17 : memref<!tpu.dma_semaphore, #tpu.memory_space<semaphore_mem>>)
      %add3A_100 = arith.constant 2 : i32
      %add3A_101 = arith.addi %add3A_39, %add3A_100 : i32
      %add3A_102 = arith.constant 4 : i32
      %add3A_103 = arith.addi %add3A_101, %add3A_102 : i32
      %sub3A_104 = arith.constant 1 : i32
      %sub3A_105 = arith.subi %add3A_103, %sub3A_104 : i32
      %lt3A_106 = arith.constant 32 : i32
      %lt3A_107 = arith.cmpi slt, %sub3A_105, %lt3A_106 : i32
      %convert_element_type3A_108 = arith.extui %lt3A_107 : i1 to i32
      %cond3A_109 = arith.constant 0 : i32
      %cond3A_110 = arith.cmpi ne, %convert_element_type3A_108, %cond3A_109 : i32
      scf.if %cond3A_110 {
        %mul3A_166 = arith.constant 8 : i32
        %mul3A_167 = arith.muli %sub3A_105, %mul3A_166 : i32
        %add3A_168 = arith.addi %mul3A_2, %mul3A_167 : i32
        %dma_start3A_169 = arith.constant 0 : i32
        %dma_start3A_170 = tpu.memref_slice %arg2[%add3A_168, %dma_start3A_169] : memref<8192x2048xf32, #tpu.memory_space<hbm>> -> memref<8x2048xf32, #tpu.memory_space<hbm>>
        %dma_start3A_171 = arith.constant 0 : i32
        %dma_start3A_172 = tpu.memref_slice %arg2[%add3A_168, %dma_start3A_171] : memref<8192x2048xf32, #tpu.memory_space<hbm>> -> memref<8x2048xf32, #tpu.memory_space<hbm>>
        tpu.enqueue_dma source(%dma_start3A_172 : memref<8x2048xf32, #tpu.memory_space<hbm>>) target(%arg7 : memref<8x2048xf32, #tpu.memory_space<vmem>>) target_semaphore(%arg13 : memref<!tpu.dma_semaphore, #tpu.memory_space<semaphore_mem>>)
      } else {
      }
      %ge3A_111 = arith.constant 2 : i32
      %ge3A_112 = arith.cmpi sge, %add3A_101, %ge3A_111 : i32
      %convert_element_type3A_113 = arith.extui %ge3A_112 : i1 to i32
      %cond3A_114 = arith.constant 0 : i32
      %cond3A_115 = arith.cmpi ne, %convert_element_type3A_113, %cond3A_114 : i32
      scf.if %cond3A_115 {
        %mul3A_166 = arith.constant 8 : i32
        %mul3A_167 = arith.muli %add3A_101, %mul3A_166 : i32
        %add3A_168 = arith.addi %mul3A_2, %mul3A_167 : i32
        %dma_wait3A_169 = arith.constant 0 : i32
        %dma_wait3A_170 = tpu.memref_slice %arg4[%add3A_168, %dma_wait3A_169] : memref<8192x2048xf32, #tpu.memory_space<hbm>> -> memref<8x2048xf32, #tpu.memory_space<hbm>>
        %dma_wait3A_171 = arith.constant 0 : i32
        %dma_wait3A_172 = tpu.memref_slice %arg4[%add3A_168, %dma_wait3A_171] : memref<8192x2048xf32, #tpu.memory_space<hbm>> -> memref<8x2048xf32, #tpu.memory_space<hbm>>
        tpu.wait_dma2 semaphore(%arg16 : memref<!tpu.dma_semaphore, #tpu.memory_space<semaphore_mem>>) src(%arg10 : memref<8x2048xf32, #tpu.memory_space<vmem>>) dst(%dma_wait3A_172 : memref<8x2048xf32, #tpu.memory_space<hbm>>)
      } else {
      }
      %mul3A_116 = arith.constant 8 : i32
      %mul3A_117 = arith.muli %add3A_101, %mul3A_116 : i32
      %add3A_118 = arith.addi %mul3A_2, %mul3A_117 : i32
      %dma_wait3A_119 = arith.constant 0 : i32
      %dma_wait3A_120 = tpu.memref_slice %arg2[%add3A_118, %dma_wait3A_119] : memref<8192x2048xf32, #tpu.memory_space<hbm>> -> memref<8x2048xf32, #tpu.memory_space<hbm>>
      %dma_wait3A_121 = arith.constant 0 : i32
      %dma_wait3A_122 = tpu.memref_slice %arg2[%add3A_118, %dma_wait3A_121] : memref<8192x2048xf32, #tpu.memory_space<hbm>> -> memref<8x2048xf32, #tpu.memory_space<hbm>>
      tpu.wait_dma2 semaphore(%arg14 : memref<!tpu.dma_semaphore, #tpu.memory_space<semaphore_mem>>) src(%dma_wait3A_122 : memref<8x2048xf32, #tpu.memory_space<hbm>>) dst(%arg8 : memref<8x2048xf32, #tpu.memory_space<vmem>>)
      %parallel_loop3A_123 = arith.constant 0 : i32
      %parallel_loop3A_124 = arith.constant 128 : i32
      %parallel_loop3A_125 = arith.constant 1 : i32
      scf.for %parallel_loop3A_166 = %parallel_loop3A_123 to %parallel_loop3A_124 step %parallel_loop3A_125  : i32 {
        %parallel_loop3A_167 = arith.constant 16 : i32
        %parallel_loop3A_168 = arith.muli %parallel_loop3A_166, %parallel_loop3A_167 : i32
        %parallel_loop3A_169 = arith.index_cast %parallel_loop3A_168 : i32 to index
        %parallel_loop3A_170 = tpu.vector_load %arg5[%parallel_loop3A_169] {strides = array<i32>} : memref<2048xi32, #tpu.memory_space<vmem>>, vector<16xi32>,
        %parallel_loop3A_171 = arith.constant 16 : i32
        %parallel_loop3A_172 = arith.muli %parallel_loop3A_166, %parallel_loop3A_171 : i32
        %parallel_loop3A_173 = arith.constant 0 : i32
        %parallel_loop3A_174 = vector.broadcast %parallel_loop3A_173 : i32 to vector<16xi32>
        %parallel_loop3A_175 = tpu.vector_load_idx %arg8[%parallel_loop3A_174, %parallel_loop3A_170] : memref<8x2048xf32, #tpu.memory_space<vmem>>[vector<16xi32>, vector<16xi32>], vector<16xf32>,
        %parallel_loop3A_176 = arith.constant 0 : i32
        %parallel_loop3A_177 = arith.index_cast %parallel_loop3A_176 : i32 to index
        %parallel_loop3A_178 = arith.index_cast %parallel_loop3A_172 : i32 to index
        %parallel_loop3A_179 = tpu.vector_load %arg10[%parallel_loop3A_177, %parallel_loop3A_178] {strides = array<i32>} : memref<8x2048xf32, #tpu.memory_space<vmem>>, vector<16xf32>,
        tpu.vector_store %arg10[%parallel_loop3A_177, %parallel_loop3A_178], %parallel_loop3A_175 {strides = array<i32>} : memref<8x2048xf32, #tpu.memory_space<vmem>>, vector<16xf32>,
        %parallel_loop3A_180 = arith.constant 1 : i32
        %parallel_loop3A_181 = vector.broadcast %parallel_loop3A_180 : i32 to vector<16xi32>
        %parallel_loop3A_182 = tpu.vector_load_idx %arg8[%parallel_loop3A_181, %parallel_loop3A_170] : memref<8x2048xf32, #tpu.memory_space<vmem>>[vector<16xi32>, vector<16xi32>], vector<16xf32>,
        %parallel_loop3A_183 = arith.constant 1 : i32
        %parallel_loop3A_184 = arith.index_cast %parallel_loop3A_183 : i32 to index
        %parallel_loop3A_185 = arith.index_cast %parallel_loop3A_172 : i32 to index
        %parallel_loop3A_186 = tpu.vector_load %arg10[%parallel_loop3A_184, %parallel_loop3A_185] {strides = array<i32>} : memref<8x2048xf32, #tpu.memory_space<vmem>>, vector<16xf32>,
        tpu.vector_store %arg10[%parallel_loop3A_184, %parallel_loop3A_185], %parallel_loop3A_182 {strides = array<i32>} : memref<8x2048xf32, #tpu.memory_space<vmem>>, vector<16xf32>,
        %parallel_loop3A_187 = arith.constant 2 : i32
        %parallel_loop3A_188 = vector.broadcast %parallel_loop3A_187 : i32 to vector<16xi32>
        %parallel_loop3A_189 = tpu.vector_load_idx %arg8[%parallel_loop3A_188, %parallel_loop3A_170] : memref<8x2048xf32, #tpu.memory_space<vmem>>[vector<16xi32>, vector<16xi32>], vector<16xf32>,
        %parallel_loop3A_190 = arith.constant 2 : i32
        %parallel_loop3A_191 = arith.index_cast %parallel_loop3A_190 : i32 to index
        %parallel_loop3A_192 = arith.index_cast %parallel_loop3A_172 : i32 to index
        %parallel_loop3A_193 = tpu.vector_load %arg10[%parallel_loop3A_191, %parallel_loop3A_192] {strides = array<i32>} : memref<8x2048xf32, #tpu.memory_space<vmem>>, vector<16xf32>,
        tpu.vector_store %arg10[%parallel_loop3A_191, %parallel_loop3A_192], %parallel_loop3A_189 {strides = array<i32>} : memref<8x2048xf32, #tpu.memory_space<vmem>>, vector<16xf32>,
        %parallel_loop3A_194 = arith.constant 3 : i32
        %parallel_loop3A_195 = vector.broadcast %parallel_loop3A_194 : i32 to vector<16xi32>
        %parallel_loop3A_196 = tpu.vector_load_idx %arg8[%parallel_loop3A_195, %parallel_loop3A_170] : memref<8x2048xf32, #tpu.memory_space<vmem>>[vector<16xi32>, vector<16xi32>], vector<16xf32>,
        %parallel_loop3A_197 = arith.constant 3 : i32
        %parallel_loop3A_198 = arith.index_cast %parallel_loop3A_197 : i32 to index
        %parallel_loop3A_199 = arith.index_cast %parallel_loop3A_172 : i32 to index
        %parallel_loop3A_200 = tpu.vector_load %arg10[%parallel_loop3A_198, %parallel_loop3A_199] {strides = array<i32>} : memref<8x2048xf32, #tpu.memory_space<vmem>>, vector<16xf32>,
        tpu.vector_store %arg10[%parallel_loop3A_198, %parallel_loop3A_199], %parallel_loop3A_196 {strides = array<i32>} : memref<8x2048xf32, #tpu.memory_space<vmem>>, vector<16xf32>,
        %parallel_loop3A_201 = arith.constant 4 : i32
        %parallel_loop3A_202 = vector.broadcast %parallel_loop3A_201 : i32 to vector<16xi32>
        %parallel_loop3A_203 = tpu.vector_load_idx %arg8[%parallel_loop3A_202, %parallel_loop3A_170] : memref<8x2048xf32, #tpu.memory_space<vmem>>[vector<16xi32>, vector<16xi32>], vector<16xf32>,
        %parallel_loop3A_204 = arith.constant 4 : i32
        %parallel_loop3A_205 = arith.index_cast %parallel_loop3A_204 : i32 to index
        %parallel_loop3A_206 = arith.index_cast %parallel_loop3A_172 : i32 to index
        %parallel_loop3A_207 = tpu.vector_load %arg10[%parallel_loop3A_205, %parallel_loop3A_206] {strides = array<i32>} : memref<8x2048xf32, #tpu.memory_space<vmem>>, vector<16xf32>,
        tpu.vector_store %arg10[%parallel_loop3A_205, %parallel_loop3A_206], %parallel_loop3A_203 {strides = array<i32>} : memref<8x2048xf32, #tpu.memory_space<vmem>>, vector<16xf32>,
        %parallel_loop3A_208 = arith.constant 5 : i32
        %parallel_loop3A_209 = vector.broadcast %parallel_loop3A_208 : i32 to vector<16xi32>
        %parallel_loop3A_210 = tpu.vector_load_idx %arg8[%parallel_loop3A_209, %parallel_loop3A_170] : memref<8x2048xf32, #tpu.memory_space<vmem>>[vector<16xi32>, vector<16xi32>], vector<16xf32>,
        %parallel_loop3A_211 = arith.constant 5 : i32
        %parallel_loop3A_212 = arith.index_cast %parallel_loop3A_211 : i32 to index
        %parallel_loop3A_213 = arith.index_cast %parallel_loop3A_172 : i32 to index
        %parallel_loop3A_214 = tpu.vector_load %arg10[%parallel_loop3A_212, %parallel_loop3A_213] {strides = array<i32>} : memref<8x2048xf32, #tpu.memory_space<vmem>>, vector<16xf32>,
        tpu.vector_store %arg10[%parallel_loop3A_212, %parallel_loop3A_213], %parallel_loop3A_210 {strides = array<i32>} : memref<8x2048xf32, #tpu.memory_space<vmem>>, vector<16xf32>,
        %parallel_loop3A_215 = arith.constant 6 : i32
        %parallel_loop3A_216 = vector.broadcast %parallel_loop3A_215 : i32 to vector<16xi32>
        %parallel_loop3A_217 = tpu.vector_load_idx %arg8[%parallel_loop3A_216, %parallel_loop3A_170] : memref<8x2048xf32, #tpu.memory_space<vmem>>[vector<16xi32>, vector<16xi32>], vector<16xf32>,
        %parallel_loop3A_218 = arith.constant 6 : i32
        %parallel_loop3A_219 = arith.index_cast %parallel_loop3A_218 : i32 to index
        %parallel_loop3A_220 = arith.index_cast %parallel_loop3A_172 : i32 to index
        %parallel_loop3A_221 = tpu.vector_load %arg10[%parallel_loop3A_219, %parallel_loop3A_220] {strides = array<i32>} : memref<8x2048xf32, #tpu.memory_space<vmem>>, vector<16xf32>,
        tpu.vector_store %arg10[%parallel_loop3A_219, %parallel_loop3A_220], %parallel_loop3A_217 {strides = array<i32>} : memref<8x2048xf32, #tpu.memory_space<vmem>>, vector<16xf32>,
        %parallel_loop3A_222 = arith.constant 7 : i32
        %parallel_loop3A_223 = vector.broadcast %parallel_loop3A_222 : i32 to vector<16xi32>
        %parallel_loop3A_224 = tpu.vector_load_idx %arg8[%parallel_loop3A_223, %parallel_loop3A_170] : memref<8x2048xf32, #tpu.memory_space<vmem>>[vector<16xi32>, vector<16xi32>], vector<16xf32>,
        %parallel_loop3A_225 = arith.constant 7 : i32
        %parallel_loop3A_226 = arith.index_cast %parallel_loop3A_225 : i32 to index
        %parallel_loop3A_227 = arith.index_cast %parallel_loop3A_172 : i32 to index
        %parallel_loop3A_228 = tpu.vector_load %arg10[%parallel_loop3A_226, %parallel_loop3A_227] {strides = array<i32>} : memref<8x2048xf32, #tpu.memory_space<vmem>>, vector<16xf32>,
        tpu.vector_store %arg10[%parallel_loop3A_226, %parallel_loop3A_227], %parallel_loop3A_224 {strides = array<i32>} : memref<8x2048xf32, #tpu.memory_space<vmem>>, vector<16xf32>,
      } {sc.loop_unroll_factor = 8 : i64, sc.parallel_access}
      %mul3A_126 = arith.constant 8 : i32
      %mul3A_127 = arith.muli %add3A_101, %mul3A_126 : i32
      %add3A_128 = arith.addi %mul3A_2, %mul3A_127 : i32
      %dma_start3A_129 = arith.constant 0 : i32
      %dma_start3A_130 = tpu.memref_slice %arg4[%add3A_128, %dma_start3A_129] : memref<8192x2048xf32, #tpu.memory_space<hbm>> -> memref<8x2048xf32, #tpu.memory_space<hbm>>
      %dma_start3A_131 = arith.constant 0 : i32
      %dma_start3A_132 = tpu.memref_slice %arg4[%add3A_128, %dma_start3A_131] : memref<8192x2048xf32, #tpu.memory_space<hbm>> -> memref<8x2048xf32, #tpu.memory_space<hbm>>
      tpu.enqueue_dma source(%arg10 : memref<8x2048xf32, #tpu.memory_space<vmem>>) target(%dma_start3A_132 : memref<8x2048xf32, #tpu.memory_space<hbm>>) target_semaphore(%arg16 : memref<!tpu.dma_semaphore, #tpu.memory_space<semaphore_mem>>)
      %add3A_133 = arith.constant 3 : i32
      %add3A_134 = arith.addi %add3A_39, %add3A_133 : i32
      %add3A_135 = arith.constant 4 : i32
      %add3A_136 = arith.addi %add3A_134, %add3A_135 : i32
      %sub3A_137 = arith.constant 1 : i32
      %sub3A_138 = arith.subi %add3A_136, %sub3A_137 : i32
      %lt3A_139 = arith.constant 32 : i32
      %lt3A_140 = arith.cmpi slt, %sub3A_138, %lt3A_139 : i32
      %convert_element_type3A_141 = arith.extui %lt3A_140 : i1 to i32
      %cond3A_142 = arith.constant 0 : i32
      %cond3A_143 = arith.cmpi ne, %convert_element_type3A_141, %cond3A_142 : i32
      scf.if %cond3A_143 {
        %mul3A_166 = arith.constant 8 : i32
        %mul3A_167 = arith.muli %sub3A_138, %mul3A_166 : i32
        %add3A_168 = arith.addi %mul3A_2, %mul3A_167 : i32
        %dma_start3A_169 = arith.constant 0 : i32
        %dma_start3A_170 = tpu.memref_slice %arg2[%add3A_168, %dma_start3A_169] : memref<8192x2048xf32, #tpu.memory_space<hbm>> -> memref<8x2048xf32, #tpu.memory_space<hbm>>
        %dma_start3A_171 = arith.constant 0 : i32
        %dma_start3A_172 = tpu.memref_slice %arg2[%add3A_168, %dma_start3A_171] : memref<8192x2048xf32, #tpu.memory_space<hbm>> -> memref<8x2048xf32, #tpu.memory_space<hbm>>
        tpu.enqueue_dma source(%dma_start3A_172 : memref<8x2048xf32, #tpu.memory_space<hbm>>) target(%arg8 : memref<8x2048xf32, #tpu.memory_space<vmem>>) target_semaphore(%arg14 : memref<!tpu.dma_semaphore, #tpu.memory_space<semaphore_mem>>)
      } else {
      }
      %ge3A_144 = arith.constant 2 : i32
      %ge3A_145 = arith.cmpi sge, %add3A_134, %ge3A_144 : i32
      %convert_element_type3A_146 = arith.extui %ge3A_145 : i1 to i32
      %cond3A_147 = arith.constant 0 : i32
      %cond3A_148 = arith.cmpi ne, %convert_element_type3A_146, %cond3A_147 : i32
      scf.if %cond3A_148 {
        %mul3A_166 = arith.constant 8 : i32
        %mul3A_167 = arith.muli %add3A_134, %mul3A_166 : i32
        %add3A_168 = arith.addi %mul3A_2, %mul3A_167 : i32
        %dma_wait3A_169 = arith.constant 0 : i32
        %dma_wait3A_170 = tpu.memref_slice %arg4[%add3A_168, %dma_wait3A_169] : memref<8192x2048xf32, #tpu.memory_space<hbm>> -> memref<8x2048xf32, #tpu.memory_space<hbm>>
        %dma_wait3A_171 = arith.constant 0 : i32
        %dma_wait3A_172 = tpu.memref_slice %arg4[%add3A_168, %dma_wait3A_171] : memref<8192x2048xf32, #tpu.memory_space<hbm>> -> memref<8x2048xf32, #tpu.memory_space<hbm>>
        tpu.wait_dma2 semaphore(%arg17 : memref<!tpu.dma_semaphore, #tpu.memory_space<semaphore_mem>>) src(%arg11 : memref<8x2048xf32, #tpu.memory_space<vmem>>) dst(%dma_wait3A_172 : memref<8x2048xf32, #tpu.memory_space<hbm>>)
      } else {
      }
      %mul3A_149 = arith.constant 8 : i32
      %mul3A_150 = arith.muli %add3A_134, %mul3A_149 : i32
      %add3A_151 = arith.addi %mul3A_2, %mul3A_150 : i32
      %dma_wait3A_152 = arith.constant 0 : i32
      %dma_wait3A_153 = tpu.memref_slice %arg2[%add3A_151, %dma_wait3A_152] : memref<8192x2048xf32, #tpu.memory_space<hbm>> -> memref<8x2048xf32, #tpu.memory_space<hbm>>
      %dma_wait3A_154 = arith.constant 0 : i32
      %dma_wait3A_155 = tpu.memref_slice %arg2[%add3A_151, %dma_wait3A_154] : memref<8192x2048xf32, #tpu.memory_space<hbm>> -> memref<8x2048xf32, #tpu.memory_space<hbm>>
      tpu.wait_dma2 semaphore(%arg15 : memref<!tpu.dma_semaphore, #tpu.memory_space<semaphore_mem>>) src(%dma_wait3A_155 : memref<8x2048xf32, #tpu.memory_space<hbm>>) dst(%arg9 : memref<8x2048xf32, #tpu.memory_space<vmem>>)
      %parallel_loop3A_156 = arith.constant 0 : i32
      %parallel_loop3A_157 = arith.constant 128 : i32
      %parallel_loop3A_158 = arith.constant 1 : i32
      scf.for %parallel_loop3A_166 = %parallel_loop3A_156 to %parallel_loop3A_157 step %parallel_loop3A_158  : i32 {
        %parallel_loop3A_167 = arith.constant 16 : i32
        %parallel_loop3A_168 = arith.muli %parallel_loop3A_166, %parallel_loop3A_167 : i32
        %parallel_loop3A_169 = arith.index_cast %parallel_loop3A_168 : i32 to index
        %parallel_loop3A_170 = tpu.vector_load %arg5[%parallel_loop3A_169] {strides = array<i32>} : memref<2048xi32, #tpu.memory_space<vmem>>, vector<16xi32>,
        %parallel_loop3A_171 = arith.constant 16 : i32
        %parallel_loop3A_172 = arith.muli %parallel_loop3A_166, %parallel_loop3A_171 : i32
        %parallel_loop3A_173 = arith.constant 0 : i32
        %parallel_loop3A_174 = vector.broadcast %parallel_loop3A_173 : i32 to vector<16xi32>
        %parallel_loop3A_175 = tpu.vector_load_idx %arg9[%parallel_loop3A_174, %parallel_loop3A_170] : memref<8x2048xf32, #tpu.memory_space<vmem>>[vector<16xi32>, vector<16xi32>], vector<16xf32>,
        %parallel_loop3A_176 = arith.constant 0 : i32
        %parallel_loop3A_177 = arith.index_cast %parallel_loop3A_176 : i32 to index
        %parallel_loop3A_178 = arith.index_cast %parallel_loop3A_172 : i32 to index
        %parallel_loop3A_179 = tpu.vector_load %arg11[%parallel_loop3A_177, %parallel_loop3A_178] {strides = array<i32>} : memref<8x2048xf32, #tpu.memory_space<vmem>>, vector<16xf32>,
        tpu.vector_store %arg11[%parallel_loop3A_177, %parallel_loop3A_178], %parallel_loop3A_175 {strides = array<i32>} : memref<8x2048xf32, #tpu.memory_space<vmem>>, vector<16xf32>,
        %parallel_loop3A_180 = arith.constant 1 : i32
        %parallel_loop3A_181 = vector.broadcast %parallel_loop3A_180 : i32 to vector<16xi32>
        %parallel_loop3A_182 = tpu.vector_load_idx %arg9[%parallel_loop3A_181, %parallel_loop3A_170] : memref<8x2048xf32, #tpu.memory_space<vmem>>[vector<16xi32>, vector<16xi32>], vector<16xf32>,
        %parallel_loop3A_183 = arith.constant 1 : i32
        %parallel_loop3A_184 = arith.index_cast %parallel_loop3A_183 : i32 to index
        %parallel_loop3A_185 = arith.index_cast %parallel_loop3A_172 : i32 to index
        %parallel_loop3A_186 = tpu.vector_load %arg11[%parallel_loop3A_184, %parallel_loop3A_185] {strides = array<i32>} : memref<8x2048xf32, #tpu.memory_space<vmem>>, vector<16xf32>,
        tpu.vector_store %arg11[%parallel_loop3A_184, %parallel_loop3A_185], %parallel_loop3A_182 {strides = array<i32>} : memref<8x2048xf32, #tpu.memory_space<vmem>>, vector<16xf32>,
        %parallel_loop3A_187 = arith.constant 2 : i32
        %parallel_loop3A_188 = vector.broadcast %parallel_loop3A_187 : i32 to vector<16xi32>
        %parallel_loop3A_189 = tpu.vector_load_idx %arg9[%parallel_loop3A_188, %parallel_loop3A_170] : memref<8x2048xf32, #tpu.memory_space<vmem>>[vector<16xi32>, vector<16xi32>], vector<16xf32>,
        %parallel_loop3A_190 = arith.constant 2 : i32
        %parallel_loop3A_191 = arith.index_cast %parallel_loop3A_190 : i32 to index
        %parallel_loop3A_192 = arith.index_cast %parallel_loop3A_172 : i32 to index
        %parallel_loop3A_193 = tpu.vector_load %arg11[%parallel_loop3A_191, %parallel_loop3A_192] {strides = array<i32>} : memref<8x2048xf32, #tpu.memory_space<vmem>>, vector<16xf32>,
        tpu.vector_store %arg11[%parallel_loop3A_191, %parallel_loop3A_192], %parallel_loop3A_189 {strides = array<i32>} : memref<8x2048xf32, #tpu.memory_space<vmem>>, vector<16xf32>,
        %parallel_loop3A_194 = arith.constant 3 : i32
        %parallel_loop3A_195 = vector.broadcast %parallel_loop3A_194 : i32 to vector<16xi32>
        %parallel_loop3A_196 = tpu.vector_load_idx %arg9[%parallel_loop3A_195, %parallel_loop3A_170] : memref<8x2048xf32, #tpu.memory_space<vmem>>[vector<16xi32>, vector<16xi32>], vector<16xf32>,
        %parallel_loop3A_197 = arith.constant 3 : i32
        %parallel_loop3A_198 = arith.index_cast %parallel_loop3A_197 : i32 to index
        %parallel_loop3A_199 = arith.index_cast %parallel_loop3A_172 : i32 to index
        %parallel_loop3A_200 = tpu.vector_load %arg11[%parallel_loop3A_198, %parallel_loop3A_199] {strides = array<i32>} : memref<8x2048xf32, #tpu.memory_space<vmem>>, vector<16xf32>,
        tpu.vector_store %arg11[%parallel_loop3A_198, %parallel_loop3A_199], %parallel_loop3A_196 {strides = array<i32>} : memref<8x2048xf32, #tpu.memory_space<vmem>>, vector<16xf32>,
        %parallel_loop3A_201 = arith.constant 4 : i32
        %parallel_loop3A_202 = vector.broadcast %parallel_loop3A_201 : i32 to vector<16xi32>
        %parallel_loop3A_203 = tpu.vector_load_idx %arg9[%parallel_loop3A_202, %parallel_loop3A_170] : memref<8x2048xf32, #tpu.memory_space<vmem>>[vector<16xi32>, vector<16xi32>], vector<16xf32>,
        %parallel_loop3A_204 = arith.constant 4 : i32
        %parallel_loop3A_205 = arith.index_cast %parallel_loop3A_204 : i32 to index
        %parallel_loop3A_206 = arith.index_cast %parallel_loop3A_172 : i32 to index
        %parallel_loop3A_207 = tpu.vector_load %arg11[%parallel_loop3A_205, %parallel_loop3A_206] {strides = array<i32>} : memref<8x2048xf32, #tpu.memory_space<vmem>>, vector<16xf32>,
        tpu.vector_store %arg11[%parallel_loop3A_205, %parallel_loop3A_206], %parallel_loop3A_203 {strides = array<i32>} : memref<8x2048xf32, #tpu.memory_space<vmem>>, vector<16xf32>,
        %parallel_loop3A_208 = arith.constant 5 : i32
        %parallel_loop3A_209 = vector.broadcast %parallel_loop3A_208 : i32 to vector<16xi32>
        %parallel_loop3A_210 = tpu.vector_load_idx %arg9[%parallel_loop3A_209, %parallel_loop3A_170] : memref<8x2048xf32, #tpu.memory_space<vmem>>[vector<16xi32>, vector<16xi32>], vector<16xf32>,
        %parallel_loop3A_211 = arith.constant 5 : i32
        %parallel_loop3A_212 = arith.index_cast %parallel_loop3A_211 : i32 to index
        %parallel_loop3A_213 = arith.index_cast %parallel_loop3A_172 : i32 to index
        %parallel_loop3A_214 = tpu.vector_load %arg11[%parallel_loop3A_212, %parallel_loop3A_213] {strides = array<i32>} : memref<8x2048xf32, #tpu.memory_space<vmem>>, vector<16xf32>,
        tpu.vector_store %arg11[%parallel_loop3A_212, %parallel_loop3A_213], %parallel_loop3A_210 {strides = array<i32>} : memref<8x2048xf32, #tpu.memory_space<vmem>>, vector<16xf32>,
        %parallel_loop3A_215 = arith.constant 6 : i32
        %parallel_loop3A_216 = vector.broadcast %parallel_loop3A_215 : i32 to vector<16xi32>
        %parallel_loop3A_217 = tpu.vector_load_idx %arg9[%parallel_loop3A_216, %parallel_loop3A_170] : memref<8x2048xf32, #tpu.memory_space<vmem>>[vector<16xi32>, vector<16xi32>], vector<16xf32>,
        %parallel_loop3A_218 = arith.constant 6 : i32
        %parallel_loop3A_219 = arith.index_cast %parallel_loop3A_218 : i32 to index
        %parallel_loop3A_220 = arith.index_cast %parallel_loop3A_172 : i32 to index
        %parallel_loop3A_221 = tpu.vector_load %arg11[%parallel_loop3A_219, %parallel_loop3A_220] {strides = array<i32>} : memref<8x2048xf32, #tpu.memory_space<vmem>>, vector<16xf32>,
        tpu.vector_store %arg11[%parallel_loop3A_219, %parallel_loop3A_220], %parallel_loop3A_217 {strides = array<i32>} : memref<8x2048xf32, #tpu.memory_space<vmem>>, vector<16xf32>,
        %parallel_loop3A_222 = arith.constant 7 : i32
        %parallel_loop3A_223 = vector.broadcast %parallel_loop3A_222 : i32 to vector<16xi32>
        %parallel_loop3A_224 = tpu.vector_load_idx %arg9[%parallel_loop3A_223, %parallel_loop3A_170] : memref<8x2048xf32, #tpu.memory_space<vmem>>[vector<16xi32>, vector<16xi32>], vector<16xf32>,
        %parallel_loop3A_225 = arith.constant 7 : i32
        %parallel_loop3A_226 = arith.index_cast %parallel_loop3A_225 : i32 to index
        %parallel_loop3A_227 = arith.index_cast %parallel_loop3A_172 : i32 to index
        %parallel_loop3A_228 = tpu.vector_load %arg11[%parallel_loop3A_226, %parallel_loop3A_227] {strides = array<i32>} : memref<8x2048xf32, #tpu.memory_space<vmem>>, vector<16xf32>,
        tpu.vector_store %arg11[%parallel_loop3A_226, %parallel_loop3A_227], %parallel_loop3A_224 {strides = array<i32>} : memref<8x2048xf32, #tpu.memory_space<vmem>>, vector<16xf32>,
      } {sc.loop_unroll_factor = 8 : i64, sc.parallel_access}
      %mul3A_159 = arith.constant 8 : i32
      %mul3A_160 = arith.muli %add3A_134, %mul3A_159 : i32
      %add3A_161 = arith.addi %mul3A_2, %mul3A_160 : i32
      %dma_start3A_162 = arith.constant 0 : i32
      %dma_start3A_163 = tpu.memref_slice %arg4[%add3A_161, %dma_start3A_162] : memref<8192x2048xf32, #tpu.memory_space<hbm>> -> memref<8x2048xf32, #tpu.memory_space<hbm>>
      %dma_start3A_164 = arith.constant 0 : i32
      %dma_start3A_165 = tpu.memref_slice %arg4[%add3A_161, %dma_start3A_164] : memref<8192x2048xf32, #tpu.memory_space<hbm>> -> memref<8x2048xf32, #tpu.memory_space<hbm>>
      tpu.enqueue_dma source(%arg11 : memref<8x2048xf32, #tpu.memory_space<vmem>>) target(%dma_start3A_165 : memref<8x2048xf32, #tpu.memory_space<hbm>>) target_semaphore(%arg17 : memref<!tpu.dma_semaphore, #tpu.memory_space<semaphore_mem>>)
    }
    %scan3A_23 = arith.constant 8 : i32
    %add3A_24 = arith.constant 240 : i32
    %add3A_25 = arith.addi %mul3A_2, %add3A_24 : i32
    %dma_wait3A = arith.constant 0 : i32
    %dma_wait3A_26 = tpu.memref_slice %arg4[%add3A_25, %dma_wait3A] : memref<8192x2048xf32, #tpu.memory_space<hbm>> -> memref<8x2048xf32, #tpu.memory_space<hbm>>
    %dma_wait3A_27 = arith.constant 0 : i32
    %dma_wait3A_28 = tpu.memref_slice %arg4[%add3A_25, %dma_wait3A_27] : memref<8192x2048xf32, #tpu.memory_space<hbm>> -> memref<8x2048xf32, #tpu.memory_space<hbm>>
    tpu.wait_dma2 semaphore(%arg16 : memref<!tpu.dma_semaphore, #tpu.memory_space<semaphore_mem>>) src(%arg10 : memref<8x2048xf32, #tpu.memory_space<vmem>>) dst(%dma_wait3A_28 : memref<8x2048xf32, #tpu.memory_space<hbm>>)
    %add3A_29 = arith.constant 248 : i32
    %add3A_30 = arith.addi %mul3A_2, %add3A_29 : i32
    %dma_wait3A_31 = arith.constant 0 : i32
    %dma_wait3A_32 = tpu.memref_slice %arg4[%add3A_30, %dma_wait3A_31] : memref<8192x2048xf32, #tpu.memory_space<hbm>> -> memref<8x2048xf32, #tpu.memory_space<hbm>>
    %dma_wait3A_33 = arith.constant 0 : i32
    %dma_wait3A_34 = tpu.memref_slice %arg4[%add3A_30, %dma_wait3A_33] : memref<8192x2048xf32, #tpu.memory_space<hbm>> -> memref<8x2048xf32, #tpu.memory_space<hbm>>
    tpu.wait_dma2 semaphore(%arg17 : memref<!tpu.dma_semaphore, #tpu.memory_space<semaphore_mem>>) src(%arg11 : memref<8x2048xf32, #tpu.memory_space<vmem>>) dst(%dma_wait3A_34 : memref<8x2048xf32, #tpu.memory_space<hbm>>)
    return
  }
}

</mosaic_0001>

<sc_bundles>
// kernel: kernel.3.cloned.1.call-start
scs
__scs_entry_jumppad:
0x0: {  	(pc) =	sbr.rel $0x88, $3  }
0x1: {  	(tag) =	ssettag $0x0;
	lr =	simm.s32 $0x1  }
0x2: {  	[smem:$0x3F9F] =	sst lr;
	_ =	strace $0xD0000000  }
0x3: {  	_ = 	snop  }
0x4: {  	_ = 	snop  }
0x5: {  	_ = 	snop  }
0x6: {  	_ = 	snop  }
0x7: {  	_ = 	snop  }
__scs_overlays_trampoline_lowered:
0x8: {  	[smem:$0x3FAE] =	sst s0  }
0x9: {  	[smem:$0x3FAF] =	sst s1  }
0xa: {  	[smem:$0x3FB0] =	sst s2  }
0xb: {  	[smem:$0x3FB1] =	sst s3  }
0xc: {  	[smem:$0x3FB2] =	sst s4  }
0xd: {  	[smem:$0x3FB3] =	sst s5  }
0xe: {  	[smem:$0x3FB4] =	sst s6  }
0xf: {  	[smem:$0x3FB5] =	sst s7  }
0x10: {  	[smem:$0x3FB6] =	sst s8  }
0x11: {  	[smem:$0x3FB7] =	sst s9;
	s0 =	simm.s32 @!p0 $0x0  }
0x12: {  	s1 =	sld [smem:$0x3F9D];
	s0 =	simm.s32 @p0 $0x1  }
0x13: {  	[smem:$0x3FB8] =	sst s0;
	s0 =	simm.s32 @!p1 $0x0  }
0x14: {  	s2 =	sld [smem:$0x3F9C];
	s0 =	simm.s32 @p1 $0x1  }
0x15: {  	[smem:$0x3FB9] =	sst s0;
	s0 =	simm.s32 @!p2 $0x0  }
0x16: {  	s3 =	sld [smem:$0x3FDB];
	s0 =	simm.s32 @p2 $0x1  }
0x17: {  	s4 =	simm.s32 $0x1BF5;
	[smem:$0x3FBB] =	sst s0  }
0x18: {  	s0 =	sld [smem:$0x3F9E];
	_ =	swait.ge [sflag:s4], $0x0  }
0x19: {  	s7 =	sld [smem:$0x3F9F]  }
0x1a: {  	s8 =	sadd.s32 $0xFFFFE003, lr  }
0x1b: {  	s9 =	sadd.s32 $0xFFFFFEF7, lr;
	s5 =	simm.s32 $0xFFFFFFFF;
	p2 =	slt.u32 s8, $0xFFFFF086  }
0x1c: {  	p1 =	slt.u32 s9, $0xF7A;
	s5 =	simm.s32 @!p2 $0x0  }
0x1d: {  	s5 =	simm.s32 @p1 $0x1;
	p0 =	seq.s32 s7, s2  }
0x1e: {  	s7 =	smul.u32 @!p0 $0xF7A, s2;
	p2 =	seq.s32 @!p0 s5, $0x0  }
0x1f: {  	s9 =	smul.u32 $0xF7A, s1;
	s8 =	simm.s32 @!p0 $0x1BF5;
	p2 =	por !p2, p0  }
0x20: {  	[sflag:s8] =	ssyncset.s32 @!p0 $0xFFFFF086;
	s6 =	sadd.s32 @!p0 s3, s7;
	s7 =	simm.s32 @!p0 $0x108  }
0x21: {  	s3 =	sadd.s32 s3, s9;
	s6 =	sadd.s32 @!p0 $0x88, s6;
	s7 =	simm.s32 @p2 $0x1082  }
0x22: {  	[simem:s7], [sflag:s8] =	dma.local @!p0 [hbm:s6], $0xF7A  }
0x23: {  	s9 =	sor.u32 $0xD0000000, s2;
	s6 =	simm.s32 $0x108;
	_ =	swait.ge @!p0 [sflag:s8], $0x0  }
0x24: {  	s3 =	sadd.s32 $0x88, s3;
	s6 =	simm.s32 @!p1 $0x1082;
	[sflag:s4] =	ssyncset.s32 $0xFFFFF086  }
0x25: {  	[simem:s6], [sflag:s4] =	dma.local [hbm:s3], $0xF7A  }
0x26: {  	[smem:$0x3F9F] =	sst s1;
	(tag) =	ssettag s2;
	_ =	strace s9  }
0x27: {  	s1 =	sld [smem:$0x3FAF]  }
0x28: {  	s2 =	sld [smem:$0x3FB0]  }
0x29: {  	s4 =	sld [smem:$0x3FB2]  }
0x2a: {  	p0 =	seq.s32 s5, $0x0;
	s5 =	sld [smem:$0x3FB3]  }
0x2b: {  	s6 =	sld [smem:$0x3FB4]  }
0x2c: {  	s7 =	sld [smem:$0x3FB5]  }
0x2d: {  	s3 =	simm.s32 $0x108;
	s8 =	sld [smem:$0x3FB6]  }
0x2e: {  	s3 =	simm.s32 @!p0 $0x1082;
	s9 =	sld [smem:$0x3FB7]  }
0x2f: {  	lr =	sadd.s32 s0, s3;
	s0 =	sld [smem:$0x3FAE]  }
0x30: {  	s3 =	sld [smem:$0x3FB1]  }
0x31: {  	[smem:$0x3FBA] =	sst s10  }
0x32: {  	s10 =	sld [smem:$0x3FB8];
	_ =	sdelay $0x3  }
0x33: {  	p0 =	seq.s32 s10, $0x1;
	s10 =	sld [smem:$0x3FBA];
	_ =	sdelay $0x3  }
0x34: {  	[smem:$0x3FBA] =	sst s10  }
0x35: {  	s10 =	sld [smem:$0x3FB9];
	_ =	sdelay $0x3  }
0x36: {  	p1 =	seq.s32 s10, $0x1;
	s10 =	sld [smem:$0x3FBA];
	_ =	sdelay $0x3  }
0x37: {  	[smem:$0x3FBA] =	sst s10  }
0x38: {  	s10 =	sld [smem:$0x3FBB]  }
0x39: {  	_ = 	snop;
	(pc) =	sbr.ind lr, $3  }
0x3a: {  	_ = 	snop  }
0x3b: {  	_ = 	snop  }
0x3c: {  	p2 =	seq.s32 s10, $0x1;
	s10 =	sld [smem:$0x3FBA]  }
0x3d: {  	_ =	shalt  }
0x3e: {  	_ =	shalt  }
0x3f: {  	_ =	shalt  }
0x40: {  	_ =	shalt  }
0x41: {  	_ =	shalt  }
0x42: {  	_ =	shalt  }
0x43: {  	_ =	shalt  }
0x44: {  	_ =	shalt  }
0x45: {  	_ =	shalt  }
0x46: {  	_ =	shalt  }
0x47: {  	_ =	shalt  }
0x48: {  	_ =	shalt  }
0x49: {  	_ =	shalt  }
0x4a: {  	_ =	shalt  }
0x4b: {  	_ =	shalt  }
0x4c: {  	_ =	shalt  }
0x4d: {  	_ =	shalt  }
0x4e: {  	_ =	shalt  }
0x4f: {  	_ =	shalt  }
0x50: {  	_ =	shalt  }
0x51: {  	_ =	shalt  }
0x52: {  	_ =	shalt  }
0x53: {  	_ =	shalt  }
0x54: {  	_ =	shalt  }
0x55: {  	_ =	shalt  }
0x56: {  	_ =	shalt  }
0x57: {  	_ =	shalt  }
0x58: {  	_ =	shalt  }
0x59: {  	_ =	shalt  }
0x5a: {  	_ =	shalt  }
0x5b: {  	_ =	shalt  }
0x5c: {  	_ =	shalt  }
0x5d: {  	_ =	shalt  }
0x5e: {  	_ =	shalt  }
0x5f: {  	_ =	shalt  }
0x60: {  	_ =	shalt  }
0x61: {  	_ =	shalt  }
0x62: {  	_ =	shalt  }
0x63: {  	_ =	shalt  }
0x64: {  	_ =	shalt  }
0x65: {  	_ =	shalt  }
0x66: {  	_ =	shalt  }
0x67: {  	_ =	shalt  }
0x68: {  	_ =	shalt  }
0x69: {  	_ =	shalt  }
0x6a: {  	_ =	shalt  }
0x6b: {  	_ =	shalt  }
0x6c: {  	_ =	shalt  }
0x6d: {  	_ =	shalt  }
0x6e: {  	_ =	shalt  }
0x6f: {  	_ =	shalt  }
0x70: {  	_ =	shalt  }
0x71: {  	_ =	shalt  }
0x72: {  	_ =	shalt  }
0x73: {  	_ =	shalt  }
0x74: {  	_ =	shalt  }
0x75: {  	_ =	shalt  }
0x76: {  	_ =	shalt  }
0x77: {  	_ =	shalt  }
0x78: {  	_ =	shalt  }
0x79: {  	_ =	shalt  }
0x7a: {  	_ =	shalt  }
0x7b: {  	_ =	shalt  }
0x7c: {  	_ =	shalt  }
0x7d: {  	_ =	shalt  }
0x7e: {  	_ =	shalt  }
0x7f: {  	_ =	shalt  }
0x80: {  	_ =	shalt  }
0x81: {  	_ =	shalt  }
0x82: {  	_ =	shalt  }
0x83: {  	_ =	shalt  }
0x84: {  	_ =	shalt  }
0x85: {  	_ =	shalt  }
0x86: {  	_ =	shalt  }
0x87: {  	_ =	shalt  }
.Lfunc_end0:
.L_simem_size_0:
called_computation_lowered:
.L_overlay_start_0:
0x88: {  	s2 =	sld [smem:$0x3FD9]  }
0x89: {  	s3 =	sld [smem:$0x3FFE];
	_ =	sdelay $0x1  }
0x8a: {  	s1 =	srdreg.scid  }
0x8b: {  	s0 =	sand.u32 $0x1, s1  }
0x8c: {  	s15 =	sshll.u32 s0, $0xA;
	s2 =	sadd.s32 s3, s2  }
0x8d: {  	s2 =	sadd.s32 s2, s15  }
0x8e: {  	[smem:$0x3FC6] =	sst s2  }
0x8f: {  	_ = 	snop  }
0x90: {  	s2 =	sld [smem:$0x3FD0];
	_ =	sdelay $0x1  }
0x91: {  	s16 =	sld [smem:$0x3FC9]  }
0x92: {  	s5 =	simm.s32 $0xA;
	s6 =	simm.s32 $0x10;
	s4 =	sld [smem:$0x3FC8]  }
0x93: {  	[smem:s6], [sflag:s5] =	dma.local [hbm:s2], $0x1  }
0x94: {  	_ =	swait.eq [sflag:s5], $0x1  }
0x95: {  	[sflag:s5] =	ssyncset.done $0x0  }
0x96: {  	[sflag:s5] =	ssyncadd.s32 $0xFFFFFFFF  }
0x97: {  	s17 =	sld [smem:$0x10];
	(tm) =	ssettm $0x1  }
0x98: {  	s18 =	sld [smem:$0x3FFB];
	_ =	sdelay $0x3  }
0x99: {  	_ =	strace s18  }
0x9a: {  	s5 =	sld [smem:$0x3FFC];
	_ =	sdelay $0x3  }
0x9b: {  	_ =	strace s5  }
0x9c: {  	s5 =	sld [smem:$0x3FFD];
	_ =	sdelay $0x3  }
0x9d: {  	_ =	strace s5  }
0x9e: {  	_ =	strace $0x8FFFFFFF  }
0x9f: {  	s19 =	sld [smem:$0x3FDB];
	_ =	sdelay $0x1  }
0xa0: {  	s20 =	simm.s32 $_scs_section_size  }
0xa1: {  	s7 =	simm.s32 $_size__tile_overlayer_lowered;
	s8 =	simm.s32 $_tile_overlayer_lowered  }
0xa2: {  	s23 =	simm.s32 $0x1BFF;
	s22 =	sshll.u32 s8, $0x1;
	s5 =	sadd.s32 s20, s19  }
0xa3: {  	s9 =	simm.s32 $0x0;
	s21 =	sshll.u32 s7, $0x1;
	s7 =	sadd.s32 s22, s5  }
0xa4: {  	[timem:s9], [sflag:s23] =	dma.local [hbm:s7], s21  }
0xa5: {  	_ =	swait.ge [sflag:s23], s21  }
0xa6: {  	s6 =	ssub.s32 $0x0, s21;
	[sflag:s23] =	ssyncset.done $0x0  }
0xa7: {  	[sflag:s23] =	ssyncadd.s32 s6;
	_ =	sdelay $0x1  }
0xa8: {  	s24 =	simm.s32 $0x1B8B  }
0xa9: {  	_ =	swait.ge [sflag:s24], $0x1  }
0xaa: {  	[sflag:s24] =	ssyncset.done $0x0  }
0xab: {  	s25 =	simm.s32 $0x1B8E;
	[sflag:s24] =	ssyncadd.s32 $0xFFFFFFFF  }
0xac: {  	s26 =	simm.s32 $execute0_lowered;
	[smem:$0x3FD2] =	sst s25  }
0xad: {  	s6 =	sshll.u32 s26, $0x1;
	_ =	strace $0x80000046;
	[dreg:$0x1] =	wrdreg $0xFFFFFFFF  }
0xae: {  	s28 =	simm.s32 $_size_execute0_lowered;
	s5 =	sadd.s32 s5, s6;
	[dreg:$0x0] =	wrdreg $0x0  }
0xaf: {  	s6 =	sshll.u32 s28, $0x1;
	[dreg:$0x2] =	wrdreg s5  }
0xb0: {  	[dreg:$0x3] =	wrdreg s6  }
0xb1: {  	[dreg:$0x4] =	wrdreg $0xC0  }
0xb2: {  	_ =	task [dreg:s9], $0x5FFFF  }
0xb3: {  	[dreg:$0x1] =	wrdreg $0xFFFFFFFF  }
0xb4: {  	[dreg:$0x0] =	wrdreg $0x60  }
0xb5: {  	[dreg:$0x2] =	wrdreg s16  }
0xb6: {  	[dreg:$0x3] =	wrdreg s4  }
0xb7: {  	[dreg:$0x4] =	wrdreg s17  }
0xb8: {  	[dreg:$0x5] =	wrdreg $0x9  }
0xb9: {  	_ =	task.clear_ibuf [dreg:s9], $0x6FFFF;
	_ =	strace $0x90000046  }
0xba: {  	s29 =	simm.s32 $0x9;
	_ =	strace $0x80000048  }
0xbb: {  	_ =	swait.ge [sflag:s29], $0x1  }
0xbc: {  	[sflag:s29] =	ssyncadd.s32 $0xFFFFFFFF  }
0xbd: {  	_ =	strace $0x90000048  }
0xbe: {  	_ =	sfence  }
0xbf: {  	s30 =	sld [smem:$0x0];
	_ =	sdelay $0x2  }
0xc0: {  	s31 =	sshll.u32 s1, $0xD;
	s1 =	sshrl.u32 s1, $0x2  }
0xc1: {  	s3 =	sand.u32 $0x4000, s31;
	s1 =	sadd.s32 s1, s30  }
0xc2: {  	s0 =	sor.u32 s3, s0;
	s1 =	sshll.u32 s1, $0x11  }
0xc3: {  	s0 =	sor.u32 s1, s0  }
0xc4: {  	s0 =	sadd.s32 $0x8F2B, s0  }
0xc5: {  	[sflag:s0] =	ssyncadd.remote.s32 $0x1  }
0xc6: {  	_ =	sfence.sel $0xFFFF  }
0xc7: {  	[dreg:$0x0] =	wrdreg $0xFFFFFFFF;
	(pc) =	sbr.abs _section_cstart, $3  }
0xc8: {  	[dreg:$0x1] =	wrdreg $0xFFFFFFFF  }
0xc9: {  	_ =	task.clear_ibuf [dreg:s9], $0x2FFFF;
	_ =	strace $0x9FFFFFFF  }
0xca: {  	(tm) =	ssettm $0x7FFFFFFF  }
0xcb: {  	_ =	shalt  }
tec
execute0_lowered:
.L_overlay_start_1:
0x0: {  	(tag) =	ssettag $0x1  }
0x1: {  	s1 =	rddreg [dreg:$0x0]  }
0x2: {  	s4 =	rddreg [dreg:$0x2];
	s0 =	srdreg.scid  }
0x3: {  	s2 =	stileid.u32;
	s5 =	simm.s32 $0x0;
	s16 =	simm.s32 $0x7  }
0x4: {  	s17 =	simm.s32 $0x800;
	s18 =	simm.s32 $0x4800;
	s19 =	simm.s32 $0x8800  }
0x5: {  	s20 =	simm.s32 $0xC800;
	s21 =	simm.s32 $0x1;
	s22 =	simm.s32 $0x10800  }
0x6: {  	s23 =	simm.s32 $0x2;
	s24 =	simm.s32 $0x14800;
	s25 =	simm.s32 $0x5  }
0x7: {  	s28 =	simm.s32 $0x6;
	s29 =	simm.s32 $0x4;
	s0 =	sand.u32 $0x1, s0  }
0x8: {  	s30 =	simm.s32 $0x0;
	s2 =	sshll.u32 s2, $0x9;
	s3 =	sshll.u32 s0, $0x8  }
0x9: {  	[smem:$0x7FF] =	sst s5;
	s0 =	ssub.s32 $0x2, s0;
	s6 =	sor.u32 s3, s2  }
0xa: {  	_ =	strace $0x80000047;
	s26 =	sshrl.u32 s0, $0x1;
	s3 =	sshll.u32 s6, $0x8  }
0xb: {  	s0 =	ssub.s32 s0, s26;
	s8 =	sshrl.u32 s6, $0x3;
	s31 =	sadd.s32 s1, s3  }
0xc: {  	s26 =	simm.s32 $0x3;
	s0 =	smax.u32 s0, $0x1;
	[dreg:$0x4] =	wrdreg s31  }
0xd: {  	s11 =	sor.u32 $0x4, s8;
	s7 =	sadd.s32 $0x800, s31;
	[dreg:$0x7] =	wrdreg s0  }
0xe: {  	s12 =	sor.u32 $0x5, s8;
	s2 =	sadd.s32 $0x1000, s31;
	[dreg:$0x5] =	wrdreg s7  }
0xf: {  	s13 =	sor.u32 $0x6, s8;
	s14 =	sadd.s32 s4, s3;
	[dreg:$0x6] =	wrdreg s2  }
.LBB2_1:
0x10: {  	s0 =	rddreg [dreg:$0x1]  }
0x11: {  	[tilespmem:s5], [sflag:$0x7] =	stream.linear.gather [hbm4b:s0+s5], $0x800, $0x38;
	[tilespmem:$0x18800] =	vst v63  }
0x12: {  	_ =	swait.ge [sflag:s16], $0x800  }
0x13: {  	[sflag:s16] =	ssyncset.done $0x0  }
0x14: {  	s9 =	rddreg [dreg:$0x4];
	[sflag:s16] =	ssyncadd.s32 $0xFFFFF800  }
0x15: {  	[tilespmem:s17], [sflag:$0x1] =	stream.linear.gather [hbm4b:s9+s5], $0x4000, $0x38;
	[tilespmem:$0x18800] =	vst v63  }
0x16: {  	s10 =	rddreg [dreg:$0x5]  }
0x17: {  	[tilespmem:s18], [sflag:$0x2] =	stream.linear.gather [hbm4b:s10+s5], $0x4000, $0x38;
	[tilespmem:$0x18800] =	vst v63  }
0x18: {  	s31 =	simm.s32 $0x0;
	s15 =	rddreg [dreg:$0x6]  }
0x19: {  	[tilespmem:s19], [sflag:$0x3] =	stream.linear.gather [hbm4b:s15+s5], $0x4000, $0x38;
	[tilespmem:$0x18800] =	vst v63  }
.LBB2_2:
0x1a: {  	s2 =	sshll.u32 s31, $0x2  }
0x1b: {  	s0 =	sadd.s32 s2, s8  }
0x1c: {  	s0 =	sshll.u32 s0, $0xB  }
0x1d: {  	s0 =	sadd.s32 $0x1800, s0  }
0x1e: {  	p0 =	seq.s32 s31, $0x0;
	s3 =	sadd.s32 s1, s0  }
0x1f: {  	[tilespmem:s20], [sflag:$0x4] =	stream.linear.gather [hbm4b:s3+s5], $0x4000, $0x38;
	[tilespmem:$0x18800] =	vst v63  }
0x20: {  	s3 =	simm.s32 @!p0 $0x5  }
0x21: {  	_ =	swait.ge @!p0 [sflag:s3], $0x4000  }
0x22: {  	[sflag:s3] =	ssyncset.done @!p0 $0x0  }
0x23: {  	[sflag:s3] =	ssyncadd.s32 @!p0 $0xFFFFC000  }
0x24: {  	_ =	swait.ge [sflag:s21], $0x4000  }
0x25: {  	[sflag:s21] =	ssyncset.done $0x0  }
0x26: {  	s15 =	simm.s32 $0x40;
	[sflag:s21] =	ssyncadd.s32 $0xFFFFC000  }
0x27: {  	v0 =	vld [tilespmem:s15+$0x30];
	_ =	sdelay $0x3  }
0x28: {  	v1 =	vld [tilespmem:s15+$0xFFFFFFD0]  }
0x29: {  	v2 =	vshll.u32 v0, $0x3  }
0x2a: {  	v3 =	vld [tilespmem:s15+$0xFFFFFFE0];
	v0 =	vand.u32 $0x7F, v0;
	v2 =	vand.u32 $0xFFFFFC00, v2  }
0x2b: {  	v5 =	vld [tilespmem:s15+$0xFFFFFFC0];
	v4 =	vor.u32 v0, v2;
	_ =	sdelay $0x1  }
0x2c: {  	v2 =	vld [tilespmem:s15+$0xFFFFFFF0];
	v0 =	vshll.u32 v1, $0x3  }
0x2d: {  	v7 =	vld [tilespmem:s15+$0x10];
	v1 =	vand.u32 $0x7F, v1;
	v8 =	vand.u32 $0xFFFFFC00, v0  }
0x2e: {  	v6 =	vld [tilespmem:s15+$0x0];
	v0 =	vshll.u32 v3, $0x3;
	v1 =	vor.u32 v1, v8  }
0x2f: {  	v11 =	vor.u32 $0x80, v4;
	v9 =	vand.u32 $0xFFFFFC00, v0;
	v0 =	vshll.u32 v5, $0x3;
	v10 =	vld.idx.msk [tilespmem:v4+s17+$0x0], $0xffff  }
0x30: {  	v12 =	vld [tilespmem:s15+$0x20];
	v3 =	vand.u32 $0x7F, v3;
	v5 =	vand.u32 $0x7F, v5;
	v0 =	vand.u32 $0xFFFFFC00, v0  }
0x31: {  	v0 =	vor.u32 v5, v0;
	v13 =	vshll.u32 v2, $0x3;
	v8 =	vand.u32 $0x7F, v2  }
0x32: {  	v2 =	vor.u32 v3, v9;
	v9 =	vshll.u32 v7, $0x3;
	v5 =	vand.u32 $0xFFFFFC00, v13  }
0x33: {  	s3 =	simm.s32 $0x10A00;
	v13 =	vshll.u32 v6, $0x3;
	v3 =	vor.u32 v8, v5;
	v5 =	vand.u32 $0xFFFFFC00, v9;
	v9 =	vld.idx.msk [tilespmem:v1+s17+$0x0], $0xffff  }
0x34: {  	v15 =	vor.u32 $0x80, v1;
	v6 =	vand.u32 $0x7F, v6;
	v13 =	vand.u32 $0xFFFFFC00, v13;
	[tilespmem:s3+$0xFFFFFE70] =	vst v10  }
0x35: {  	v7 =	vand.u32 $0x7F, v7;
	v8 =	vshll.u32 v12, $0x3;
	v10 =	vor.u32 v6, v13;
	v6 =	vld.idx.msk [tilespmem:v11+s17+$0x0], $0xffff  }
0x36: {  	v11 =	vor.u32 v7, v5;
	v5 =	vld.idx.msk [tilespmem:v0+s17+$0x0], $0xffff;
	v7 =	vand.u32 $0xFFFFFC00, v8;
	v8 =	vand.u32 $0x7F, v12  }
0x37: {  	v13 =	vor.u32 $0x100, v4;
	v12 =	vor.u32 v8, v7;
	v7 =	vld.idx.msk [tilespmem:v2+s17+$0x0], $0xffff  }
0x38: {  	v8 =	vor.u32 $0x80, v0;
	v14 =	vld.idx.msk [tilespmem:v3+s17+$0x0], $0xffff;
	[tilespmem:s3+$0xFFFFFE10] =	vst v9  }
0x39: {  	v15 =	vld.idx.msk [tilespmem:v15+s17+$0x0], $0xffff  }
0x3a: {  	v17 =	vor.u32 $0x80, v2;
	v16 =	vld.idx.msk [tilespmem:v10+s17+$0x0], $0xffff  }
0x3b: {  	v18 =	vld.idx.msk [tilespmem:v11+s17+$0x0], $0xffff;
	[tilespmem:s3+$0xFFFFFEF0] =	vst v6;
	v6 =	vor.u32 $0x80, v3  }
0x3c: {  	[tilespmem:s3+$0xFFFFFE00] =	vst v5;
	v5 =	vld.idx.msk [tilespmem:v13+s17+$0x0], $0xffff;
	v13 =	vor.u32 $0x80, v10  }
0x3d: {  	v19 =	vor.u32 $0x80, v11;
	v8 =	vld.idx.msk [tilespmem:v8+s17+$0x0], $0xffff;
	[tilespmem:s3+$0xFFFFFE20] =	vst v7  }
0x3e: {  	v9 =	vld.idx.msk [tilespmem:v12+s17+$0x0], $0xffff;
	v7 =	vor.u32 $0x180, v4;
	[tilespmem:s3+$0xFFFFFE30] =	vst v14  }
0x3f: {  	v14 =	vor.u32 $0x80, v12;
	v17 =	vld.idx.msk [tilespmem:v17+s17+$0x0], $0xffff;
	[tilespmem:s3+$0xFFFFFE40] =	vst v16  }
0x40: {  	v16 =	vor.u32 $0x100, v0;
	v6 =	vld.idx.msk [tilespmem:v6+s17+$0x0], $0xffff;
	[tilespmem:s3+$0xFFFFFE50] =	vst v18  }
0x41: {  	v18 =	vor.u32 $0x100, v1;
	v13 =	vld.idx.msk [tilespmem:v13+s17+$0x0], $0xffff;
	[tilespmem:s3+$0xFFFFFF70] =	vst v5  }
0x42: {  	v5 =	vor.u32 $0x100, v2;
	[tilespmem:s3+$0xFFFFFE80] =	vst v8;
	v8 =	vld.idx.msk [tilespmem:v19+s17+$0x0], $0xffff  }
0x43: {  	[tilespmem:s3+$0xFFFFFE60] =	vst v9;
	v9 =	vor.u32 $0x100, v3;
	v7 =	vld.idx.msk [tilespmem:v7+s17+$0x0], $0xffff  }
0x44: {  	[tilespmem:s3+$0xFFFFFE90] =	vst v15;
	v19 =	vor.u32 $0x100, v10;
	v14 =	vld.idx.msk [tilespmem:v14+s17+$0x0], $0xffff  }
0x45: {  	[tilespmem:s3+$0xFFFFFEA0] =	vst v17;
	v17 =	vor.u32 $0x100, v11;
	v16 =	vld.idx.msk [tilespmem:v16+s17+$0x0], $0xffff  }
0x46: {  	v15 =	vor.u32 $0x200, v4;
	v18 =	vld.idx.msk [tilespmem:v18+s17+$0x0], $0xffff;
	[tilespmem:s3+$0xFFFFFEB0] =	vst v6  }
0x47: {  	v6 =	vor.u32 $0x100, v12;
	v5 =	vld.idx.msk [tilespmem:v5+s17+$0x0], $0xffff;
	[tilespmem:s3+$0xFFFFFEC0] =	vst v13  }
0x48: {  	v13 =	vor.u32 $0x180, v0;
	v9 =	vld.idx.msk [tilespmem:v9+s17+$0x0], $0xffff;
	[tilespmem:s3+$0xFFFFFED0] =	vst v8  }
0x49: {  	[tilespmem:s3+$0xFFFFFFF0] =	vst v7;
	v7 =	vor.u32 $0x180, v1;
	v19 =	vld.idx.msk [tilespmem:v19+s17+$0x0], $0xffff  }
0x4a: {  	[tilespmem:s3+$0xFFFFFEE0] =	vst v14;
	v14 =	vld.idx.msk [tilespmem:v17+s17+$0x0], $0xffff;
	v17 =	vor.u32 $0x180, v3  }
0x4b: {  	v8 =	vld.idx.msk [tilespmem:v15+s17+$0x0], $0xffff;
	v15 =	vor.u32 $0x180, v2;
	[tilespmem:s3+$0xFFFFFF00] =	vst v16  }
0x4c: {  	v16 =	vor.u32 $0x280, v4;
	[tilespmem:s3+$0xFFFFFF10] =	vst v18;
	v6 =	vld.idx.msk [tilespmem:v6+s17+$0x0], $0xffff  }
0x4d: {  	v18 =	vor.u32 $0x180, v10;
	v13 =	vld.idx.msk [tilespmem:v13+s17+$0x0], $0xffff;
	[tilespmem:s3+$0xFFFFFF20] =	vst v5  }
0x4e: {  	v5 =	vor.u32 $0x180, v11;
	[tilespmem:s3+$0xFFFFFF30] =	vst v9;
	v7 =	vld.idx.msk [tilespmem:v7+s17+$0x0], $0xffff  }
0x4f: {  	v9 =	vor.u32 $0x180, v12;
	[tilespmem:s3+$0xFFFFFF40] =	vst v19;
	v17 =	vld.idx.msk [tilespmem:v17+s17+$0x0], $0xffff  }
0x50: {  	v15 =	vld.idx.msk [tilespmem:v15+s17+$0x0], $0xffff;
	[tilespmem:s3+$0x70] =	vst v8;
	v8 =	vor.u32 $0x200, v0  }
0x51: {  	v19 =	vor.u32 $0x200, v1;
	[tilespmem:s3+$0xFFFFFF50] =	vst v14;
	v16 =	vld.idx.msk [tilespmem:v16+s17+$0x0], $0xffff  }
0x52: {  	v14 =	vld.idx.msk [tilespmem:v18+s17+$0x0], $0xffff;
	[tilespmem:s3+$0xFFFFFF60] =	vst v6;
	v6 =	vor.u32 $0x300, v4  }
0x53: {  	v18 =	vor.u32 $0x200, v2;
	[tilespmem:s3+$0xFFFFFF80] =	vst v13;
	v5 =	vld.idx.msk [tilespmem:v5+s17+$0x0], $0xffff  }
0x54: {  	v13 =	vor.u32 $0x200, v3;
	[tilespmem:s3+$0xFFFFFF90] =	vst v7;
	v7 =	vld.idx.msk [tilespmem:v9+s17+$0x0], $0xffff  }
0x55: {  	v9 =	vor.u32 $0x200, v10;
	v8 =	vld.idx.msk [tilespmem:v8+s17+$0x0], $0xffff;
	[tilespmem:s3+$0xFFFFFFA0] =	vst v15  }
0x56: {  	v15 =	vor.u32 $0x200, v11;
	v19 =	vld.idx.msk [tilespmem:v19+s17+$0x0], $0xffff;
	[tilespmem:s3+$0xF0] =	vst v16  }
0x57: {  	[tilespmem:s3+$0xFFFFFFB0] =	vst v17;
	v16 =	vor.u32 $0x200, v12;
	v6 =	vld.idx.msk [tilespmem:v6+s17+$0x0], $0xffff  }
0x58: {  	v17 =	vor.u32 $0x280, v0;
	v18 =	vld.idx.msk [tilespmem:v18+s17+$0x0], $0xffff;
	[tilespmem:s3+$0xFFFFFFC0] =	vst v14  }
0x59: {  	v4 =	vor.u32 $0x380, v4;
	v13 =	vld.idx.msk [tilespmem:v13+s17+$0x0], $0xffff;
	[tilespmem:s3+$0xFFFFFFD0] =	vst v5  }
0x5a: {  	v5 =	vor.u32 $0x280, v1;
	v9 =	vld.idx.msk [tilespmem:v9+s17+$0x0], $0xffff;
	[tilespmem:s3+$0xFFFFFFE0] =	vst v7  }
0x5b: {  	v7 =	vor.u32 $0x280, v2;
	[tilespmem:s3+$0x0] =	vst v8;
	v8 =	vld.idx.msk [tilespmem:v15+s17+$0x0], $0xffff  }
0x5c: {  	v14 =	vor.u32 $0x280, v3;
	[tilespmem:s3+$0x10] =	vst v19;
	v15 =	vld.idx.msk [tilespmem:v16+s17+$0x0], $0xffff  }
0x5d: {  	v16 =	vor.u32 $0x280, v10;
	v17 =	vld.idx.msk [tilespmem:v17+s17+$0x0], $0xffff;
	[tilespmem:s3+$0x170] =	vst v6  }
0x5e: {  	v6 =	vor.u32 $0x280, v11;
	[tilespmem:s3+$0x20] =	vst v18;
	v4 =	vld.idx.msk [tilespmem:v4+s17+$0x0], $0xffff  }
0x5f: {  	v18 =	vor.u32 $0x280, v12;
	v5 =	vld.idx.msk [tilespmem:v5+s17+$0x0], $0xffff;
	[tilespmem:s3+$0x30] =	vst v13  }
0x60: {  	v13 =	vor.u32 $0x300, v0;
	v7 =	vld.idx.msk [tilespmem:v7+s17+$0x0], $0xffff;
	[tilespmem:s3+$0x40] =	vst v9  }
0x61: {  	v9 =	vor.u32 $0x300, v1;
	v19 =	vld.idx.msk [tilespmem:v14+s17+$0x0], $0xffff;
	[tilespmem:s3+$0x50] =	vst v8  }
0x62: {  	v20 =	vor.u32 $0x300, v2;
	v21 =	vld.idx.msk [tilespmem:v16+s17+$0x0], $0xffff;
	[tilespmem:s3+$0x60] =	vst v15  }
0x63: {  	v22 =	vor.u32 $0x300, v3;
	[tilespmem:s3+$0x80] =	vst v17;
	v17 =	vld.idx.msk [tilespmem:v6+s17+$0x0], $0xffff  }
0x64: {  	v23 =	vor.u32 $0x300, v10;
	v15 =	vld.idx.msk [tilespmem:v18+s17+$0x0], $0xffff;
	[tilespmem:s3+$0x1F0] =	vst v4  }
0x65: {  	v14 =	vld.idx.msk [tilespmem:v13+s17+$0x0], $0xffff;
	[tilespmem:s3+$0x90] =	vst v5  }
0x66: {  	v13 =	vld.idx.msk [tilespmem:v9+s17+$0x0], $0xffff;
	[tilespmem:s3+$0xA0] =	vst v7  }
0x67: {  	v8 =	vor.u32 $0x300, v11;
	v6 =	vor.u32 $0x380, v1;
	v1 =	vor.u32 $0x380, v11;
	[tilespmem:s3+$0xB0] =	vst v19;
	v16 =	vld.idx.msk [tilespmem:v20+s17+$0x0], $0xffff  }
0x68: {  	v5 =	vor.u32 $0x380, v2;
	v4 =	vor.u32 $0x380, v3;
	v2 =	vor.u32 $0x380, v10;
	v3 =	vld.idx.msk [tilespmem:v22+s17+$0x0], $0xffff;
	[tilespmem:s3+$0xC0] =	vst v21  }
0x69: {  	s10 =	simm.s32 $0x0;
	s9 =	simm.s32 $0x10A00;
	s15 =	simm.s32 $0xC0;
	v7 =	vor.u32 $0x380, v0;
	v9 =	vor.u32 $0x300, v12;
	v0 =	vor.u32 $0x380, v12;
	v10 =	vld.idx.msk [tilespmem:v23+s17+$0x0], $0xffff;
	[tilespmem:s3+$0xD0] =	vst v17  }
.LBB2_3:
0x6a: {  	v11 =	vld [tilespmem:s15+$0x30];
	s10 =	sadd.s32 $0x8, s10;
	[tilespmem:s3+$0xE0] =	vst v15  }
0x6b: {  	v12 =	vld [tilespmem:s15+$0xFFFFFFD0];
	p0 =	slt.u32 s10, $0x78;
	[tilespmem:s3+$0x100] =	vst v14  }
0x6c: {  	v14 =	vld [tilespmem:s15+$0xFFFFFFE0];
	[tilespmem:s3+$0x110] =	vst v13  }
0x6d: {  	v13 =	vld [tilespmem:s15+$0xFFFFFFF0];
	[tilespmem:s3+$0x120] =	vst v16  }
0x6e: {  	v15 =	vld [tilespmem:s15+$0x0];
	[tilespmem:s3+$0x130] =	vst v3  }
0x6f: {  	v16 =	vld [tilespmem:s15+$0x10];
	v3 =	vshll.u32 v11, $0x3;
	[tilespmem:s3+$0x140] =	vst v10  }
0x70: {  	v11 =	vand.u32 $0x7F, v11;
	v10 =	vshll.u32 v12, $0x3;
	v17 =	vld [tilespmem:s15+$0x20];
	v3 =	vand.u32 $0xFFFFFC00, v3  }
0x71: {  	v18 =	vld [tilespmem:s15+$0xFFFFFFC0];
	v10 =	vand.u32 $0xFFFFFC00, v10;
	v19 =	vshll.u32 v14, $0x3;
	v3 =	vor.u32 v11, v3  }
0x72: {  	v11 =	vand.u32 $0x7F, v12;
	v12 =	vand.u32 $0xFFFFFC00, v19;
	v19 =	vshll.u32 v13, $0x3;
	v8 =	vld.idx.msk [tilespmem:v8+s17+$0x0], $0xffff  }
0x73: {  	v14 =	vand.u32 $0x7F, v14;
	v19 =	vand.u32 $0xFFFFFC00, v19;
	v20 =	vshll.u32 v15, $0x3;
	v9 =	vld.idx.msk [tilespmem:v9+s17+$0x0], $0xffff  }
0x74: {  	v13 =	vand.u32 $0x7F, v13;
	v20 =	vand.u32 $0xFFFFFC00, v20;
	v21 =	vshll.u32 v16, $0x3;
	v7 =	vld.idx.msk [tilespmem:v7+s17+$0x0], $0xffff  }
0x75: {  	v15 =	vand.u32 $0x7F, v15;
	v21 =	vand.u32 $0xFFFFFC00, v21;
	v22 =	vshll.u32 v17, $0x3;
	v6 =	vld.idx.msk [tilespmem:v6+s17+$0x0], $0xffff  }
0x76: {  	v23 =	vand.u32 $0x7F, v18;
	v18 =	vshll.u32 v18, $0x3;
	v22 =	vand.u32 $0xFFFFFC00, v22;
	v24 =	vld.idx.msk [tilespmem:v3+s17+$0x0], $0xffff  }
0x77: {  	v16 =	vand.u32 $0x7F, v16;
	v17 =	vand.u32 $0x7F, v17;
	v18 =	vand.u32 $0xFFFFFC00, v18;
	v5 =	vld.idx.msk [tilespmem:v5+s17+$0x0], $0xffff  }
0x78: {  	v25 =	vor.u32 v11, v10;
	v10 =	vor.u32 $0x80, v3;
	v23 =	vor.u32 v23, v18;
	v4 =	vld.idx.msk [tilespmem:v4+s17+$0x0], $0xffff;
	[tilespmem:s3+$0x150] =	vst v8  }
0x79: {  	v26 =	vor.u32 v14, v12;
	v27 =	vor.u32 v13, v19;
	v28 =	vor.u32 v15, v20;
	[tilespmem:s3+$0x160] =	vst v9  }
0x7a: {  	v21 =	vor.u32 v16, v21;
	v22 =	vor.u32 v17, v22;
	v8 =	vor.u32 $0x80, v23;
	[tilespmem:s3+$0x180] =	vst v7;
	v2 =	vld.idx.msk [tilespmem:v2+s17+$0x0], $0xffff  }
0x7b: {  	v29 =	vor.u32 $0x80, v27;
	v9 =	vor.u32 $0x80, v26;
	v7 =	vor.u32 $0x80, v25;
	s3 =	sadd.s32 $0x400, s3;
	[tilespmem:s9+$0x190] =	vst v6;
	v1 =	vld.idx.msk [tilespmem:v1+s17+$0x0], $0xffff  }
0x7c: {  	v30 =	vor.u32 $0x80, v28;
	v31 =	vor.u32 $0x80, v21;
	v32 =	vor.u32 $0x80, v22;
	[tilespmem:s3+$0xFFFFFE70] =	vst v24;
	v0 =	vld.idx.msk [tilespmem:v0+s17+$0x0], $0xffff  }
0x7d: {  	v33 =	vor.u32 $0x100, v25;
	v34 =	vor.u32 $0x100, v26;
	v24 =	vor.u32 $0x100, v23;
	v6 =	vld.idx.msk [tilespmem:v10+s17+$0x0], $0xffff;
	[tilespmem:s9+$0x1A0] =	vst v5  }
0x7e: {  	v35 =	vor.u32 $0x100, v27;
	v36 =	vor.u32 $0x100, v28;
	v37 =	vor.u32 $0x100, v21;
	v5 =	vld.idx.msk [tilespmem:v23+s17+$0x0], $0xffff;
	[tilespmem:s9+$0x1B0] =	vst v4  }
0x7f: {  	v39 =	vor.u32 $0x100, v22;
	v38 =	vor.u32 $0x180, v23;
	v10 =	vor.u32 $0x100, v3;
	v4 =	vld.idx.msk [tilespmem:v25+s17+$0x0], $0xffff  }
0x80: {  	v40 =	vor.u32 $0x180, v25;
	v41 =	vor.u32 $0x180, v26;
	v42 =	vor.u32 $0x180, v27;
	v11 =	vld.idx.msk [tilespmem:v26+s17+$0x0], $0xffff;
	[tilespmem:s9+$0x1C0] =	vst v2  }
0x81: {  	v43 =	vor.u32 $0x180, v28;
	v44 =	vor.u32 $0x180, v21;
	v45 =	vor.u32 $0x180, v22;
	v2 =	vld.idx.msk [tilespmem:v27+s17+$0x0], $0xffff;
	[tilespmem:s9+$0x1D0] =	vst v1  }
0x82: {  	v47 =	vor.u32 $0x200, v25;
	v48 =	vor.u32 $0x200, v26;
	v46 =	vor.u32 $0x200, v23;
	v1 =	vld.idx.msk [tilespmem:v28+s17+$0x0], $0xffff;
	[tilespmem:s9+$0x1E0] =	vst v0;
	s9 =	smov.u32 s3  }
0x83: {  	v49 =	vor.u32 $0x200, v27;
	v50 =	vor.u32 $0x200, v28;
	v51 =	vor.u32 $0x200, v21;
	v0 =	vld.idx.msk [tilespmem:v21+s17+$0x0], $0xffff;
	[tilespmem:s3+$0xFFFFFEF0] =	vst v6  }
0x84: {  	v18 =	vor.u32 $0x280, v25;
	v53 =	vor.u32 $0x200, v22;
	v52 =	vor.u32 $0x280, v23;
	[tilespmem:s3+$0xFFFFFE00] =	vst v5;
	v54 =	vld.idx.msk [tilespmem:v10+s17+$0x0], $0xffff  }
0x85: {  	v20 =	vor.u32 $0x280, v26;
	v19 =	vor.u32 $0x280, v27;
	v15 =	vor.u32 $0x280, v28;
	[tilespmem:s3+$0xFFFFFE10] =	vst v4;
	v55 =	vld.idx.msk [tilespmem:v22+s17+$0x0], $0xffff  }
0x86: {  	v57 =	vor.u32 $0x180, v3;
	v17 =	vor.u32 $0x280, v21;
	v16 =	vor.u32 $0x280, v22;
	v56 =	vld.idx.msk [tilespmem:v8+s17+$0x0], $0xffff;
	[tilespmem:s3+$0xFFFFFE20] =	vst v11  }
0x87: {  	v13 =	vor.u32 $0x300, v25;
	v14 =	vor.u32 $0x300, v23;
	v10 =	vor.u32 $0x300, v26;
	v58 =	vld.idx.msk [tilespmem:v7+s17+$0x0], $0xffff;
	[tilespmem:s3+$0xFFFFFE30] =	vst v2  }
0x88: {  	v12 =	vor.u32 $0x300, v27;
	v11 =	vor.u32 $0x300, v28;
	v8 =	vor.u32 $0x300, v21;
	v59 =	vld.idx.msk [tilespmem:v9+s17+$0x0], $0xffff;
	[tilespmem:s3+$0xFFFFFE40] =	vst v1  }
0x89: {  	v6 =	vor.u32 $0x380, v25;
	v7 =	vor.u32 $0x380, v23;
	v9 =	vor.u32 $0x300, v22;
	v23 =	vld.idx.msk [tilespmem:v29+s17+$0x0], $0xffff;
	[tilespmem:s3+$0xFFFFFE50] =	vst v0  }
0x8a: {  	v5 =	vor.u32 $0x380, v26;
	v4 =	vor.u32 $0x380, v27;
	v2 =	vor.u32 $0x380, v28;
	v25 =	vld.idx.msk [tilespmem:v30+s17+$0x0], $0xffff;
	[tilespmem:s3+$0xFFFFFF70] =	vst v54  }
0x8b: {  	v1 =	vor.u32 $0x380, v21;
	v0 =	vor.u32 $0x380, v22;
	[tilespmem:s3+$0xFFFFFE60] =	vst v55;
	v21 =	vld.idx.msk [tilespmem:v57+s17+$0x0], $0xffff  }
0x8c: {  	[tilespmem:s3+$0xFFFFFE80] =	vst v56;
	v22 =	vld.idx.msk [tilespmem:v31+s17+$0x0], $0xffff  }
0x8d: {  	v27 =	vor.u32 $0x200, v3;
	[tilespmem:s3+$0xFFFFFE90] =	vst v58;
	v26 =	vld.idx.msk [tilespmem:v32+s17+$0x0], $0xffff  }
0x8e: {  	v24 =	vld.idx.msk [tilespmem:v24+s17+$0x0], $0xffff;
	[tilespmem:s3+$0xFFFFFEA0] =	vst v59  }
0x8f: {  	v28 =	vld.idx.msk [tilespmem:v33+s17+$0x0], $0xffff;
	[tilespmem:s3+$0xFFFFFEB0] =	vst v23  }
0x90: {  	v23 =	vld.idx.msk [tilespmem:v34+s17+$0x0], $0xffff;
	[tilespmem:s3+$0xFFFFFEC0] =	vst v25  }
0x91: {  	v25 =	vld.idx.msk [tilespmem:v35+s17+$0x0], $0xffff;
	[tilespmem:s3+$0xFFFFFFF0] =	vst v21  }
0x92: {  	[tilespmem:s3+$0xFFFFFED0] =	vst v22;
	v21 =	vld.idx.msk [tilespmem:v27+s17+$0x0], $0xffff  }
0x93: {  	v22 =	vld.idx.msk [tilespmem:v36+s17+$0x0], $0xffff;
	[tilespmem:s3+$0xFFFFFEE0] =	vst v26  }
0x94: {  	v26 =	vor.u32 $0x280, v3;
	[tilespmem:s3+$0xFFFFFF00] =	vst v24;
	v24 =	vld.idx.msk [tilespmem:v37+s17+$0x0], $0xffff  }
0x95: {  	[tilespmem:s3+$0xFFFFFF10] =	vst v28;
	v27 =	vld.idx.msk [tilespmem:v39+s17+$0x0], $0xffff  }
0x96: {  	v28 =	vld.idx.msk [tilespmem:v38+s17+$0x0], $0xffff;
	[tilespmem:s3+$0xFFFFFF20] =	vst v23  }
0x97: {  	v23 =	vld.idx.msk [tilespmem:v40+s17+$0x0], $0xffff;
	[tilespmem:s3+$0xFFFFFF30] =	vst v25  }
0x98: {  	v25 =	vld.idx.msk [tilespmem:v41+s17+$0x0], $0xffff;
	[tilespmem:s3+$0x70] =	vst v21  }
0x99: {  	[tilespmem:s3+$0xFFFFFF40] =	vst v22;
	v21 =	vld.idx.msk [tilespmem:v26+s17+$0x0], $0xffff  }
0x9a: {  	v22 =	vld.idx.msk [tilespmem:v42+s17+$0x0], $0xffff;
	[tilespmem:s3+$0xFFFFFF50] =	vst v24  }
0x9b: {  	v26 =	vor.u32 $0x300, v3;
	v24 =	vld.idx.msk [tilespmem:v43+s17+$0x0], $0xffff;
	[tilespmem:s3+$0xFFFFFF60] =	vst v27  }
0x9c: {  	[tilespmem:s3+$0xFFFFFF80] =	vst v28;
	v27 =	vld.idx.msk [tilespmem:v44+s17+$0x0], $0xffff  }
0x9d: {  	[tilespmem:s3+$0xFFFFFF90] =	vst v23;
	v23 =	vld.idx.msk [tilespmem:v45+s17+$0x0], $0xffff  }
0x9e: {  	v28 =	vld.idx.msk [tilespmem:v46+s17+$0x0], $0xffff;
	[tilespmem:s3+$0xFFFFFFA0] =	vst v25  }
0x9f: {  	v25 =	vld.idx.msk [tilespmem:v47+s17+$0x0], $0xffff;
	[tilespmem:s3+$0xF0] =	vst v21  }
0xa0: {  	[tilespmem:s3+$0xFFFFFFB0] =	vst v22;
	v21 =	vld.idx.msk [tilespmem:v26+s17+$0x0], $0xffff  }
0xa1: {  	v22 =	vld.idx.msk [tilespmem:v48+s17+$0x0], $0xffff;
	[tilespmem:s3+$0xFFFFFFC0] =	vst v24  }
0xa2: {  	v3 =	vor.u32 $0x380, v3;
	v24 =	vld.idx.msk [tilespmem:v49+s17+$0x0], $0xffff;
	[tilespmem:s3+$0xFFFFFFD0] =	vst v27  }
0xa3: {  	v26 =	vld.idx.msk [tilespmem:v50+s17+$0x0], $0xffff;
	[tilespmem:s3+$0xFFFFFFE0] =	vst v23  }
0xa4: {  	[tilespmem:s3+$0x0] =	vst v28;
	v23 =	vld.idx.msk [tilespmem:v51+s17+$0x0], $0xffff  }
0xa5: {  	[tilespmem:s3+$0x10] =	vst v25;
	v25 =	vld.idx.msk [tilespmem:v53+s17+$0x0], $0xffff  }
0xa6: {  	v27 =	vld.idx.msk [tilespmem:v52+s17+$0x0], $0xffff;
	[tilespmem:s3+$0x170] =	vst v21  }
0xa7: {  	[tilespmem:s3+$0x20] =	vst v22;
	v3 =	vld.idx.msk [tilespmem:v3+s17+$0x0], $0xffff  }
0xa8: {  	v18 =	vld.idx.msk [tilespmem:v18+s17+$0x0], $0xffff;
	[tilespmem:s3+$0x30] =	vst v24  }
0xa9: {  	v20 =	vld.idx.msk [tilespmem:v20+s17+$0x0], $0xffff;
	[tilespmem:s3+$0x40] =	vst v26  }
0xaa: {  	v19 =	vld.idx.msk [tilespmem:v19+s17+$0x0], $0xffff;
	[tilespmem:s3+$0x50] =	vst v23  }
0xab: {  	v21 =	vld.idx.msk [tilespmem:v15+s17+$0x0], $0xffff;
	[tilespmem:s3+$0x60] =	vst v25  }
0xac: {  	[tilespmem:s3+$0x80] =	vst v27;
	v17 =	vld.idx.msk [tilespmem:v17+s17+$0x0], $0xffff  }
0xad: {  	v15 =	vld.idx.msk [tilespmem:v16+s17+$0x0], $0xffff;
	[tilespmem:s3+$0x1F0] =	vst v3  }
.Ltmp0:
0xae: {  	v14 =	vld.idx.msk [tilespmem:v14+s17+$0x0], $0xffff;
	[tilespmem:s3+$0x90] =	vst v18;
	(pc) =	sbr.rel @p0 .LBB2_3-.Ltmp0, $4  }
0xaf: {  	v13 =	vld.idx.msk [tilespmem:v13+s17+$0x0], $0xffff;
	[tilespmem:s3+$0xA0] =	vst v20  }
0xb0: {  	v16 =	vld.idx.msk [tilespmem:v10+s17+$0x0], $0xffff;
	[tilespmem:s3+$0xB0] =	vst v19  }
0xb1: {  	v3 =	vld.idx.msk [tilespmem:v12+s17+$0x0], $0xffff;
	[tilespmem:s3+$0xC0] =	vst v21  }
0xb2: {  	s15 =	sadd.s32 $0x80, s15;
	v10 =	vld.idx.msk [tilespmem:v11+s17+$0x0], $0xffff;
	[tilespmem:s3+$0xD0] =	vst v17  }
0xb3: {  	_ =	sdelay $0x2  }
0xb4: {  	[tilespmem:s3+$0xE0] =	vst v15  }
0xb5: {  	[tilespmem:s3+$0x100] =	vst v14;
	v8 =	vld.idx.msk [tilespmem:v8+s17+$0x0], $0xffff  }
0xb6: {  	[tilespmem:s3+$0x110] =	vst v13;
	v9 =	vld.idx.msk [tilespmem:v9+s17+$0x0], $0xffff  }
0xb7: {  	v7 =	vld.idx.msk [tilespmem:v7+s17+$0x0], $0xffff;
	[tilespmem:s3+$0x120] =	vst v16  }
0xb8: {  	[tilespmem:s3+$0x130] =	vst v3;
	v3 =	vld.idx.msk [tilespmem:v6+s17+$0x0], $0xffff  }
0xb9: {  	v5 =	vld.idx.msk [tilespmem:v5+s17+$0x0], $0xffff;
	[tilespmem:s3+$0x140] =	vst v10  }
0xba: {  	v4 =	vld.idx.msk [tilespmem:v4+s17+$0x0], $0xffff;
	[tilespmem:s3+$0x150] =	vst v8  }
0xbb: {  	v2 =	vld.idx.msk [tilespmem:v2+s17+$0x0], $0xffff;
	[tilespmem:s3+$0x160] =	vst v9  }
0xbc: {  	[tilespmem:s3+$0x180] =	vst v7;
	v1 =	vld.idx.msk [tilespmem:v1+s17+$0x0], $0xffff  }
0xbd: {  	v0 =	vld.idx.msk [tilespmem:v0+s17+$0x0], $0xffff;
	[tilespmem:s9+$0x190] =	vst v3  }
0xbe: {  	[tilespmem:s9+$0x1A0] =	vst v5  }
0xbf: {  	[tilespmem:s9+$0x1B0] =	vst v4  }
0xc0: {  	[tilespmem:s9+$0x1C0] =	vst v2  }
0xc1: {  	s10 =	sshll.u32 s31, $0xD;
	[tilespmem:s9+$0x1D0] =	vst v1  }
0xc2: {  	p0 =	seq.s32 s31, $0x7;
	s3 =	sadd.s32 s10, s14;
	[tilespmem:s9+$0x1E0] =	vst v0  }
0xc3: {  	[hbm4b:s3+s5] =	stream.linear.scatter [tilespmem:s22], [sflag:$0x5], $0x4000, $0x38;
	[tilespmem:$0x18800] =	vst v63  }
0xc4: {  	s3 =	sadd.s32 @!p0 s11, s2  }
0xc5: {  	s3 =	sshll.u32 @!p0 s3, $0xB  }
0xc6: {  	p1 =	seq.s32 @!p0 s31, $0x0;
	s7 =	simm.s32 @!p0 $0x0;
	s3 =	sand.u32 @!p0 $0x1FFFE000, s3  }
0xc7: {  	p1 =	por p0, !p1;
	s9 =	simm.s32 @!p0 $0x800;
	s3 =	sadd.s32 @!p0 s1, s3  }
0xc8: {  	[tilespmem:s9], [sflag:$0x1] =	stream.linear.gather @!p0 [hbm4b:s3+s7], $0x4000, $0x38;
	[tilespmem:$0x18800] =	vst v63  }
0xc9: {  	_ =	swait.ge @p1 [sflag:s28], $0x4000  }
0xca: {  	[sflag:s28] =	ssyncset.done @p1 $0x0  }
0xcb: {  	[sflag:s28] =	ssyncadd.s32 @p1 $0xFFFFC000  }
0xcc: {  	_ =	swait.ge [sflag:s23], $0x4000  }
0xcd: {  	[sflag:s23] =	ssyncset.done $0x0  }
0xce: {  	s15 =	simm.s32 $0x40;
	[sflag:s23] =	ssyncadd.s32 $0xFFFFC000  }
0xcf: {  	v0 =	vld [tilespmem:s15+$0x30];
	_ =	sdelay $0x3  }
0xd0: {  	v1 =	vld [tilespmem:s15+$0xFFFFFFD0]  }
0xd1: {  	v2 =	vshll.u32 v0, $0x3  }
0xd2: {  	v3 =	vld [tilespmem:s15+$0xFFFFFFE0];
	v0 =	vand.u32 $0x7F, v0;
	v2 =	vand.u32 $0xFFFFFC00, v2  }
0xd3: {  	v5 =	vld [tilespmem:s15+$0xFFFFFFC0];
	v4 =	vor.u32 v0, v2;
	_ =	sdelay $0x1  }
0xd4: {  	v2 =	vld [tilespmem:s15+$0xFFFFFFF0];
	v0 =	vshll.u32 v1, $0x3  }
0xd5: {  	v7 =	vld [tilespmem:s15+$0x10];
	v1 =	vand.u32 $0x7F, v1;
	v8 =	vand.u32 $0xFFFFFC00, v0  }
0xd6: {  	v6 =	vld [tilespmem:s15+$0x0];
	v0 =	vshll.u32 v3, $0x3;
	v1 =	vor.u32 v1, v8  }
0xd7: {  	v11 =	vor.u32 $0x80, v4;
	v9 =	vand.u32 $0xFFFFFC00, v0;
	v0 =	vshll.u32 v5, $0x3;
	v10 =	vld.idx.msk [tilespmem:v4+s18+$0x0], $0xffff  }
0xd8: {  	v12 =	vld [tilespmem:s15+$0x20];
	v3 =	vand.u32 $0x7F, v3;
	v5 =	vand.u32 $0x7F, v5;
	v0 =	vand.u32 $0xFFFFFC00, v0  }
0xd9: {  	v0 =	vor.u32 v5, v0;
	v13 =	vshll.u32 v2, $0x3;
	v8 =	vand.u32 $0x7F, v2  }
0xda: {  	v2 =	vor.u32 v3, v9;
	v9 =	vshll.u32 v7, $0x3;
	v5 =	vand.u32 $0xFFFFFC00, v13  }
0xdb: {  	s3 =	simm.s32 $0x14A00;
	v13 =	vshll.u32 v6, $0x3;
	v3 =	vor.u32 v8, v5;
	v5 =	vand.u32 $0xFFFFFC00, v9;
	v9 =	vld.idx.msk [tilespmem:v1+s18+$0x0], $0xffff  }
0xdc: {  	v15 =	vor.u32 $0x80, v1;
	v6 =	vand.u32 $0x7F, v6;
	v13 =	vand.u32 $0xFFFFFC00, v13;
	[tilespmem:s3+$0xFFFFFE70] =	vst v10  }
0xdd: {  	v7 =	vand.u32 $0x7F, v7;
	v8 =	vshll.u32 v12, $0x3;
	v10 =	vor.u32 v6, v13;
	v6 =	vld.idx.msk [tilespmem:v11+s18+$0x0], $0xffff  }
0xde: {  	v11 =	vor.u32 v7, v5;
	v5 =	vld.idx.msk [tilespmem:v0+s18+$0x0], $0xffff;
	v7 =	vand.u32 $0xFFFFFC00, v8;
	v8 =	vand.u32 $0x7F, v12  }
0xdf: {  	v13 =	vor.u32 $0x100, v4;
	v12 =	vor.u32 v8, v7;
	v7 =	vld.idx.msk [tilespmem:v2+s18+$0x0], $0xffff  }
0xe0: {  	v8 =	vor.u32 $0x80, v0;
	v14 =	vld.idx.msk [tilespmem:v3+s18+$0x0], $0xffff;
	[tilespmem:s3+$0xFFFFFE10] =	vst v9  }
0xe1: {  	v15 =	vld.idx.msk [tilespmem:v15+s18+$0x0], $0xffff  }
0xe2: {  	v17 =	vor.u32 $0x80, v2;
	v16 =	vld.idx.msk [tilespmem:v10+s18+$0x0], $0xffff  }
0xe3: {  	v18 =	vld.idx.msk [tilespmem:v11+s18+$0x0], $0xffff;
	[tilespmem:s3+$0xFFFFFEF0] =	vst v6;
	v6 =	vor.u32 $0x80, v3  }
0xe4: {  	[tilespmem:s3+$0xFFFFFE00] =	vst v5;
	v5 =	vld.idx.msk [tilespmem:v13+s18+$0x0], $0xffff;
	v13 =	vor.u32 $0x80, v10  }
0xe5: {  	v19 =	vor.u32 $0x80, v11;
	v8 =	vld.idx.msk [tilespmem:v8+s18+$0x0], $0xffff;
	[tilespmem:s3+$0xFFFFFE20] =	vst v7  }
0xe6: {  	v9 =	vld.idx.msk [tilespmem:v12+s18+$0x0], $0xffff;
	v7 =	vor.u32 $0x180, v4;
	[tilespmem:s3+$0xFFFFFE30] =	vst v14  }
0xe7: {  	v14 =	vor.u32 $0x80, v12;
	v17 =	vld.idx.msk [tilespmem:v17+s18+$0x0], $0xffff;
	[tilespmem:s3+$0xFFFFFE40] =	vst v16  }
0xe8: {  	v16 =	vor.u32 $0x100, v0;
	v6 =	vld.idx.msk [tilespmem:v6+s18+$0x0], $0xffff;
	[tilespmem:s3+$0xFFFFFE50] =	vst v18  }
0xe9: {  	v18 =	vor.u32 $0x100, v1;
	v13 =	vld.idx.msk [tilespmem:v13+s18+$0x0], $0xffff;
	[tilespmem:s3+$0xFFFFFF70] =	vst v5  }
0xea: {  	v5 =	vor.u32 $0x100, v2;
	[tilespmem:s3+$0xFFFFFE80] =	vst v8;
	v8 =	vld.idx.msk [tilespmem:v19+s18+$0x0], $0xffff  }
0xeb: {  	[tilespmem:s3+$0xFFFFFE60] =	vst v9;
	v9 =	vor.u32 $0x100, v3;
	v7 =	vld.idx.msk [tilespmem:v7+s18+$0x0], $0xffff  }
0xec: {  	[tilespmem:s3+$0xFFFFFE90] =	vst v15;
	v19 =	vor.u32 $0x100, v10;
	v14 =	vld.idx.msk [tilespmem:v14+s18+$0x0], $0xffff  }
0xed: {  	[tilespmem:s3+$0xFFFFFEA0] =	vst v17;
	v17 =	vor.u32 $0x100, v11;
	v16 =	vld.idx.msk [tilespmem:v16+s18+$0x0], $0xffff  }
0xee: {  	v15 =	vor.u32 $0x200, v4;
	v18 =	vld.idx.msk [tilespmem:v18+s18+$0x0], $0xffff;
	[tilespmem:s3+$0xFFFFFEB0] =	vst v6  }
0xef: {  	v6 =	vor.u32 $0x100, v12;
	v5 =	vld.idx.msk [tilespmem:v5+s18+$0x0], $0xffff;
	[tilespmem:s3+$0xFFFFFEC0] =	vst v13  }
0xf0: {  	v13 =	vor.u32 $0x180, v0;
	v9 =	vld.idx.msk [tilespmem:v9+s18+$0x0], $0xffff;
	[tilespmem:s3+$0xFFFFFED0] =	vst v8  }
0xf1: {  	[tilespmem:s3+$0xFFFFFFF0] =	vst v7;
	v7 =	vor.u32 $0x180, v1;
	v19 =	vld.idx.msk [tilespmem:v19+s18+$0x0], $0xffff  }
0xf2: {  	[tilespmem:s3+$0xFFFFFEE0] =	vst v14;
	v14 =	vld.idx.msk [tilespmem:v17+s18+$0x0], $0xffff;
	v17 =	vor.u32 $0x180, v3  }
0xf3: {  	v8 =	vld.idx.msk [tilespmem:v15+s18+$0x0], $0xffff;
	v15 =	vor.u32 $0x180, v2;
	[tilespmem:s3+$0xFFFFFF00] =	vst v16  }
0xf4: {  	v16 =	vor.u32 $0x280, v4;
	[tilespmem:s3+$0xFFFFFF10] =	vst v18;
	v6 =	vld.idx.msk [tilespmem:v6+s18+$0x0], $0xffff  }
0xf5: {  	v18 =	vor.u32 $0x180, v10;
	v13 =	vld.idx.msk [tilespmem:v13+s18+$0x0], $0xffff;
	[tilespmem:s3+$0xFFFFFF20] =	vst v5  }
0xf6: {  	v5 =	vor.u32 $0x180, v11;
	[tilespmem:s3+$0xFFFFFF30] =	vst v9;
	v7 =	vld.idx.msk [tilespmem:v7+s18+$0x0], $0xffff  }
0xf7: {  	v9 =	vor.u32 $0x180, v12;
	[tilespmem:s3+$0xFFFFFF40] =	vst v19;
	v17 =	vld.idx.msk [tilespmem:v17+s18+$0x0], $0xffff  }
0xf8: {  	v15 =	vld.idx.msk [tilespmem:v15+s18+$0x0], $0xffff;
	[tilespmem:s3+$0x70] =	vst v8;
	v8 =	vor.u32 $0x200, v0  }
0xf9: {  	v19 =	vor.u32 $0x200, v1;
	[tilespmem:s3+$0xFFFFFF50] =	vst v14;
	v16 =	vld.idx.msk [tilespmem:v16+s18+$0x0], $0xffff  }
0xfa: {  	v14 =	vld.idx.msk [tilespmem:v18+s18+$0x0], $0xffff;
	[tilespmem:s3+$0xFFFFFF60] =	vst v6;
	v6 =	vor.u32 $0x300, v4  }
0xfb: {  	v18 =	vor.u32 $0x200, v2;
	[tilespmem:s3+$0xFFFFFF80] =	vst v13;
	v5 =	vld.idx.msk [tilespmem:v5+s18+$0x0], $0xffff  }
0xfc: {  	v13 =	vor.u32 $0x200, v3;
	[tilespmem:s3+$0xFFFFFF90] =	vst v7;
	v7 =	vld.idx.msk [tilespmem:v9+s18+$0x0], $0xffff  }
0xfd: {  	v9 =	vor.u32 $0x200, v10;
	v8 =	vld.idx.msk [tilespmem:v8+s18+$0x0], $0xffff;
	[tilespmem:s3+$0xFFFFFFA0] =	vst v15  }
0xfe: {  	v15 =	vor.u32 $0x200, v11;
	v19 =	vld.idx.msk [tilespmem:v19+s18+$0x0], $0xffff;
	[tilespmem:s3+$0xF0] =	vst v16  }
0xff: {  	[tilespmem:s3+$0xFFFFFFB0] =	vst v17;
	v16 =	vor.u32 $0x200, v12;
	v6 =	vld.idx.msk [tilespmem:v6+s18+$0x0], $0xffff  }
0x100: {  	v17 =	vor.u32 $0x280, v0;
	v18 =	vld.idx.msk [tilespmem:v18+s18+$0x0], $0xffff;
	[tilespmem:s3+$0xFFFFFFC0] =	vst v14  }
0x101: {  	v4 =	vor.u32 $0x380, v4;
	v13 =	vld.idx.msk [tilespmem:v13+s18+$0x0], $0xffff;
	[tilespmem:s3+$0xFFFFFFD0] =	vst v5  }
0x102: {  	v5 =	vor.u32 $0x280, v1;
	v9 =	vld.idx.msk [tilespmem:v9+s18+$0x0], $0xffff;
	[tilespmem:s3+$0xFFFFFFE0] =	vst v7  }
0x103: {  	v7 =	vor.u32 $0x280, v2;
	[tilespmem:s3+$0x0] =	vst v8;
	v8 =	vld.idx.msk [tilespmem:v15+s18+$0x0], $0xffff  }
0x104: {  	v14 =	vor.u32 $0x280, v3;
	[tilespmem:s3+$0x10] =	vst v19;
	v15 =	vld.idx.msk [tilespmem:v16+s18+$0x0], $0xffff  }
0x105: {  	v16 =	vor.u32 $0x280, v10;
	v17 =	vld.idx.msk [tilespmem:v17+s18+$0x0], $0xffff;
	[tilespmem:s3+$0x170] =	vst v6  }
0x106: {  	v6 =	vor.u32 $0x280, v11;
	[tilespmem:s3+$0x20] =	vst v18;
	v4 =	vld.idx.msk [tilespmem:v4+s18+$0x0], $0xffff  }
0x107: {  	v18 =	vor.u32 $0x280, v12;
	v5 =	vld.idx.msk [tilespmem:v5+s18+$0x0], $0xffff;
	[tilespmem:s3+$0x30] =	vst v13  }
0x108: {  	v13 =	vor.u32 $0x300, v0;
	v7 =	vld.idx.msk [tilespmem:v7+s18+$0x0], $0xffff;
	[tilespmem:s3+$0x40] =	vst v9  }
0x109: {  	v9 =	vor.u32 $0x300, v1;
	v19 =	vld.idx.msk [tilespmem:v14+s18+$0x0], $0xffff;
	[tilespmem:s3+$0x50] =	vst v8  }
0x10a: {  	v20 =	vor.u32 $0x300, v2;
	v21 =	vld.idx.msk [tilespmem:v16+s18+$0x0], $0xffff;
	[tilespmem:s3+$0x60] =	vst v15  }
0x10b: {  	v22 =	vor.u32 $0x300, v3;
	[tilespmem:s3+$0x80] =	vst v17;
	v17 =	vld.idx.msk [tilespmem:v6+s18+$0x0], $0xffff  }
0x10c: {  	v23 =	vor.u32 $0x300, v10;
	v15 =	vld.idx.msk [tilespmem:v18+s18+$0x0], $0xffff;
	[tilespmem:s3+$0x1F0] =	vst v4  }
0x10d: {  	v14 =	vld.idx.msk [tilespmem:v13+s18+$0x0], $0xffff;
	[tilespmem:s3+$0x90] =	vst v5  }
0x10e: {  	v13 =	vld.idx.msk [tilespmem:v9+s18+$0x0], $0xffff;
	[tilespmem:s3+$0xA0] =	vst v7  }
0x10f: {  	v8 =	vor.u32 $0x300, v11;
	v6 =	vor.u32 $0x380, v1;
	v1 =	vor.u32 $0x380, v11;
	[tilespmem:s3+$0xB0] =	vst v19;
	v16 =	vld.idx.msk [tilespmem:v20+s18+$0x0], $0xffff  }
0x110: {  	v5 =	vor.u32 $0x380, v2;
	v4 =	vor.u32 $0x380, v3;
	v2 =	vor.u32 $0x380, v10;
	v3 =	vld.idx.msk [tilespmem:v22+s18+$0x0], $0xffff;
	[tilespmem:s3+$0xC0] =	vst v21  }
0x111: {  	s10 =	simm.s32 $0x0;
	s9 =	simm.s32 $0x14A00;
	s15 =	simm.s32 $0xC0;
	v7 =	vor.u32 $0x380, v0;
	v9 =	vor.u32 $0x300, v12;
	v0 =	vor.u32 $0x380, v12;
	v10 =	vld.idx.msk [tilespmem:v23+s18+$0x0], $0xffff;
	[tilespmem:s3+$0xD0] =	vst v17  }
.LBB2_5:
0x112: {  	v11 =	vld [tilespmem:s15+$0x30];
	s10 =	sadd.s32 $0x8, s10;
	[tilespmem:s3+$0xE0] =	vst v15  }
0x113: {  	v12 =	vld [tilespmem:s15+$0xFFFFFFD0];
	p1 =	slt.u32 s10, $0x78;
	[tilespmem:s3+$0x100] =	vst v14  }
0x114: {  	v14 =	vld [tilespmem:s15+$0xFFFFFFE0];
	[tilespmem:s3+$0x110] =	vst v13  }
0x115: {  	v13 =	vld [tilespmem:s15+$0xFFFFFFF0];
	[tilespmem:s3+$0x120] =	vst v16  }
0x116: {  	v15 =	vld [tilespmem:s15+$0x0];
	[tilespmem:s3+$0x130] =	vst v3  }
0x117: {  	v16 =	vld [tilespmem:s15+$0x10];
	v3 =	vshll.u32 v11, $0x3;
	[tilespmem:s3+$0x140] =	vst v10  }
0x118: {  	v11 =	vand.u32 $0x7F, v11;
	v10 =	vshll.u32 v12, $0x3;
	v17 =	vld [tilespmem:s15+$0x20];
	v3 =	vand.u32 $0xFFFFFC00, v3  }
0x119: {  	v18 =	vld [tilespmem:s15+$0xFFFFFFC0];
	v10 =	vand.u32 $0xFFFFFC00, v10;
	v19 =	vshll.u32 v14, $0x3;
	v3 =	vor.u32 v11, v3  }
0x11a: {  	v11 =	vand.u32 $0x7F, v12;
	v12 =	vand.u32 $0xFFFFFC00, v19;
	v19 =	vshll.u32 v13, $0x3;
	v8 =	vld.idx.msk [tilespmem:v8+s18+$0x0], $0xffff  }
0x11b: {  	v14 =	vand.u32 $0x7F, v14;
	v19 =	vand.u32 $0xFFFFFC00, v19;
	v20 =	vshll.u32 v15, $0x3;
	v9 =	vld.idx.msk [tilespmem:v9+s18+$0x0], $0xffff  }
0x11c: {  	v13 =	vand.u32 $0x7F, v13;
	v20 =	vand.u32 $0xFFFFFC00, v20;
	v21 =	vshll.u32 v16, $0x3;
	v7 =	vld.idx.msk [tilespmem:v7+s18+$0x0], $0xffff  }
0x11d: {  	v15 =	vand.u32 $0x7F, v15;
	v21 =	vand.u32 $0xFFFFFC00, v21;
	v22 =	vshll.u32 v17, $0x3;
	v6 =	vld.idx.msk [tilespmem:v6+s18+$0x0], $0xffff  }
0x11e: {  	v23 =	vand.u32 $0x7F, v18;
	v18 =	vshll.u32 v18, $0x3;
	v22 =	vand.u32 $0xFFFFFC00, v22;
	v24 =	vld.idx.msk [tilespmem:v3+s18+$0x0], $0xffff  }
0x11f: {  	v16 =	vand.u32 $0x7F, v16;
	v17 =	vand.u32 $0x7F, v17;
	v18 =	vand.u32 $0xFFFFFC00, v18;
	v5 =	vld.idx.msk [tilespmem:v5+s18+$0x0], $0xffff  }
0x120: {  	v25 =	vor.u32 v11, v10;
	v10 =	vor.u32 $0x80, v3;
	v23 =	vor.u32 v23, v18;
	v4 =	vld.idx.msk [tilespmem:v4+s18+$0x0], $0xffff;
	[tilespmem:s3+$0x150] =	vst v8  }
0x121: {  	v26 =	vor.u32 v14, v12;
	v27 =	vor.u32 v13, v19;
	v28 =	vor.u32 v15, v20;
	[tilespmem:s3+$0x160] =	vst v9  }
0x122: {  	v21 =	vor.u32 v16, v21;
	v22 =	vor.u32 v17, v22;
	v8 =	vor.u32 $0x80, v23;
	[tilespmem:s3+$0x180] =	vst v7;
	v2 =	vld.idx.msk [tilespmem:v2+s18+$0x0], $0xffff  }
0x123: {  	v29 =	vor.u32 $0x80, v27;
	v9 =	vor.u32 $0x80, v26;
	v7 =	vor.u32 $0x80, v25;
	s3 =	sadd.s32 $0x400, s3;
	[tilespmem:s9+$0x190] =	vst v6;
	v1 =	vld.idx.msk [tilespmem:v1+s18+$0x0], $0xffff  }
0x124: {  	v30 =	vor.u32 $0x80, v28;
	v31 =	vor.u32 $0x80, v21;
	v32 =	vor.u32 $0x80, v22;
	[tilespmem:s3+$0xFFFFFE70] =	vst v24;
	v0 =	vld.idx.msk [tilespmem:v0+s18+$0x0], $0xffff  }
0x125: {  	v33 =	vor.u32 $0x100, v25;
	v34 =	vor.u32 $0x100, v26;
	v24 =	vor.u32 $0x100, v23;
	v6 =	vld.idx.msk [tilespmem:v10+s18+$0x0], $0xffff;
	[tilespmem:s9+$0x1A0] =	vst v5  }
0x126: {  	v35 =	vor.u32 $0x100, v27;
	v36 =	vor.u32 $0x100, v28;
	v37 =	vor.u32 $0x100, v21;
	v5 =	vld.idx.msk [tilespmem:v23+s18+$0x0], $0xffff;
	[tilespmem:s9+$0x1B0] =	vst v4  }
0x127: {  	v39 =	vor.u32 $0x100, v22;
	v38 =	vor.u32 $0x180, v23;
	v10 =	vor.u32 $0x100, v3;
	v4 =	vld.idx.msk [tilespmem:v25+s18+$0x0], $0xffff  }
0x128: {  	v40 =	vor.u32 $0x180, v25;
	v41 =	vor.u32 $0x180, v26;
	v42 =	vor.u32 $0x180, v27;
	v11 =	vld.idx.msk [tilespmem:v26+s18+$0x0], $0xffff;
	[tilespmem:s9+$0x1C0] =	vst v2  }
0x129: {  	v43 =	vor.u32 $0x180, v28;
	v44 =	vor.u32 $0x180, v21;
	v45 =	vor.u32 $0x180, v22;
	v2 =	vld.idx.msk [tilespmem:v27+s18+$0x0], $0xffff;
	[tilespmem:s9+$0x1D0] =	vst v1  }
0x12a: {  	v47 =	vor.u32 $0x200, v25;
	v48 =	vor.u32 $0x200, v26;
	v46 =	vor.u32 $0x200, v23;
	v1 =	vld.idx.msk [tilespmem:v28+s18+$0x0], $0xffff;
	[tilespmem:s9+$0x1E0] =	vst v0;
	s9 =	smov.u32 s3  }
0x12b: {  	v49 =	vor.u32 $0x200, v27;
	v50 =	vor.u32 $0x200, v28;
	v51 =	vor.u32 $0x200, v21;
	v0 =	vld.idx.msk [tilespmem:v21+s18+$0x0], $0xffff;
	[tilespmem:s3+$0xFFFFFEF0] =	vst v6  }
0x12c: {  	v18 =	vor.u32 $0x280, v25;
	v53 =	vor.u32 $0x200, v22;
	v52 =	vor.u32 $0x280, v23;
	[tilespmem:s3+$0xFFFFFE00] =	vst v5;
	v54 =	vld.idx.msk [tilespmem:v10+s18+$0x0], $0xffff  }
0x12d: {  	v20 =	vor.u32 $0x280, v26;
	v19 =	vor.u32 $0x280, v27;
	v15 =	vor.u32 $0x280, v28;
	[tilespmem:s3+$0xFFFFFE10] =	vst v4;
	v55 =	vld.idx.msk [tilespmem:v22+s18+$0x0], $0xffff  }
0x12e: {  	v57 =	vor.u32 $0x180, v3;
	v17 =	vor.u32 $0x280, v21;
	v16 =	vor.u32 $0x280, v22;
	v56 =	vld.idx.msk [tilespmem:v8+s18+$0x0], $0xffff;
	[tilespmem:s3+$0xFFFFFE20] =	vst v11  }
0x12f: {  	v13 =	vor.u32 $0x300, v25;
	v14 =	vor.u32 $0x300, v23;
	v10 =	vor.u32 $0x300, v26;
	v58 =	vld.idx.msk [tilespmem:v7+s18+$0x0], $0xffff;
	[tilespmem:s3+$0xFFFFFE30] =	vst v2  }
0x130: {  	v12 =	vor.u32 $0x300, v27;
	v11 =	vor.u32 $0x300, v28;
	v8 =	vor.u32 $0x300, v21;
	v59 =	vld.idx.msk [tilespmem:v9+s18+$0x0], $0xffff;
	[tilespmem:s3+$0xFFFFFE40] =	vst v1  }
0x131: {  	v6 =	vor.u32 $0x380, v25;
	v7 =	vor.u32 $0x380, v23;
	v9 =	vor.u32 $0x300, v22;
	v23 =	vld.idx.msk [tilespmem:v29+s18+$0x0], $0xffff;
	[tilespmem:s3+$0xFFFFFE50] =	vst v0  }
0x132: {  	v5 =	vor.u32 $0x380, v26;
	v4 =	vor.u32 $0x380, v27;
	v2 =	vor.u32 $0x380, v28;
	v25 =	vld.idx.msk [tilespmem:v30+s18+$0x0], $0xffff;
	[tilespmem:s3+$0xFFFFFF70] =	vst v54  }
0x133: {  	v1 =	vor.u32 $0x380, v21;
	v0 =	vor.u32 $0x380, v22;
	[tilespmem:s3+$0xFFFFFE60] =	vst v55;
	v21 =	vld.idx.msk [tilespmem:v57+s18+$0x0], $0xffff  }
0x134: {  	[tilespmem:s3+$0xFFFFFE80] =	vst v56;
	v22 =	vld.idx.msk [tilespmem:v31+s18+$0x0], $0xffff  }
0x135: {  	v27 =	vor.u32 $0x200, v3;
	[tilespmem:s3+$0xFFFFFE90] =	vst v58;
	v26 =	vld.idx.msk [tilespmem:v32+s18+$0x0], $0xffff  }
0x136: {  	v24 =	vld.idx.msk [tilespmem:v24+s18+$0x0], $0xffff;
	[tilespmem:s3+$0xFFFFFEA0] =	vst v59  }
0x137: {  	v28 =	vld.idx.msk [tilespmem:v33+s18+$0x0], $0xffff;
	[tilespmem:s3+$0xFFFFFEB0] =	vst v23  }
0x138: {  	v23 =	vld.idx.msk [tilespmem:v34+s18+$0x0], $0xffff;
	[tilespmem:s3+$0xFFFFFEC0] =	vst v25  }
0x139: {  	v25 =	vld.idx.msk [tilespmem:v35+s18+$0x0], $0xffff;
	[tilespmem:s3+$0xFFFFFFF0] =	vst v21  }
0x13a: {  	[tilespmem:s3+$0xFFFFFED0] =	vst v22;
	v21 =	vld.idx.msk [tilespmem:v27+s18+$0x0], $0xffff  }
0x13b: {  	v22 =	vld.idx.msk [tilespmem:v36+s18+$0x0], $0xffff;
	[tilespmem:s3+$0xFFFFFEE0] =	vst v26  }
0x13c: {  	v26 =	vor.u32 $0x280, v3;
	[tilespmem:s3+$0xFFFFFF00] =	vst v24;
	v24 =	vld.idx.msk [tilespmem:v37+s18+$0x0], $0xffff  }
0x13d: {  	[tilespmem:s3+$0xFFFFFF10] =	vst v28;
	v27 =	vld.idx.msk [tilespmem:v39+s18+$0x0], $0xffff  }
0x13e: {  	v28 =	vld.idx.msk [tilespmem:v38+s18+$0x0], $0xffff;
	[tilespmem:s3+$0xFFFFFF20] =	vst v23  }
0x13f: {  	v23 =	vld.idx.msk [tilespmem:v40+s18+$0x0], $0xffff;
	[tilespmem:s3+$0xFFFFFF30] =	vst v25  }
0x140: {  	v25 =	vld.idx.msk [tilespmem:v41+s18+$0x0], $0xffff;
	[tilespmem:s3+$0x70] =	vst v21  }
0x141: {  	[tilespmem:s3+$0xFFFFFF40] =	vst v22;
	v21 =	vld.idx.msk [tilespmem:v26+s18+$0x0], $0xffff  }
0x142: {  	v22 =	vld.idx.msk [tilespmem:v42+s18+$0x0], $0xffff;
	[tilespmem:s3+$0xFFFFFF50] =	vst v24  }
0x143: {  	v26 =	vor.u32 $0x300, v3;
	v24 =	vld.idx.msk [tilespmem:v43+s18+$0x0], $0xffff;
	[tilespmem:s3+$0xFFFFFF60] =	vst v27  }
0x144: {  	[tilespmem:s3+$0xFFFFFF80] =	vst v28;
	v27 =	vld.idx.msk [tilespmem:v44+s18+$0x0], $0xffff  }
0x145: {  	[tilespmem:s3+$0xFFFFFF90] =	vst v23;
	v23 =	vld.idx.msk [tilespmem:v45+s18+$0x0], $0xffff  }
0x146: {  	v28 =	vld.idx.msk [tilespmem:v46+s18+$0x0], $0xffff;
	[tilespmem:s3+$0xFFFFFFA0] =	vst v25  }
0x147: {  	v25 =	vld.idx.msk [tilespmem:v47+s18+$0x0], $0xffff;
	[tilespmem:s3+$0xF0] =	vst v21  }
0x148: {  	[tilespmem:s3+$0xFFFFFFB0] =	vst v22;
	v21 =	vld.idx.msk [tilespmem:v26+s18+$0x0], $0xffff  }
0x149: {  	v22 =	vld.idx.msk [tilespmem:v48+s18+$0x0], $0xffff;
	[tilespmem:s3+$0xFFFFFFC0] =	vst v24  }
0x14a: {  	v3 =	vor.u32 $0x380, v3;
	v24 =	vld.idx.msk [tilespmem:v49+s18+$0x0], $0xffff;
	[tilespmem:s3+$0xFFFFFFD0] =	vst v27  }
0x14b: {  	v26 =	vld.idx.msk [tilespmem:v50+s18+$0x0], $0xffff;
	[tilespmem:s3+$0xFFFFFFE0] =	vst v23  }
0x14c: {  	[tilespmem:s3+$0x0] =	vst v28;
	v23 =	vld.idx.msk [tilespmem:v51+s18+$0x0], $0xffff  }
0x14d: {  	[tilespmem:s3+$0x10] =	vst v25;
	v25 =	vld.idx.msk [tilespmem:v53+s18+$0x0], $0xffff  }
0x14e: {  	v27 =	vld.idx.msk [tilespmem:v52+s18+$0x0], $0xffff;
	[tilespmem:s3+$0x170] =	vst v21  }
0x14f: {  	[tilespmem:s3+$0x20] =	vst v22;
	v3 =	vld.idx.msk [tilespmem:v3+s18+$0x0], $0xffff  }
0x150: {  	v18 =	vld.idx.msk [tilespmem:v18+s18+$0x0], $0xffff;
	[tilespmem:s3+$0x30] =	vst v24  }
0x151: {  	v20 =	vld.idx.msk [tilespmem:v20+s18+$0x0], $0xffff;
	[tilespmem:s3+$0x40] =	vst v26  }
0x152: {  	v19 =	vld.idx.msk [tilespmem:v19+s18+$0x0], $0xffff;
	[tilespmem:s3+$0x50] =	vst v23  }
0x153: {  	v21 =	vld.idx.msk [tilespmem:v15+s18+$0x0], $0xffff;
	[tilespmem:s3+$0x60] =	vst v25  }
0x154: {  	[tilespmem:s3+$0x80] =	vst v27;
	v17 =	vld.idx.msk [tilespmem:v17+s18+$0x0], $0xffff  }
0x155: {  	v15 =	vld.idx.msk [tilespmem:v16+s18+$0x0], $0xffff;
	[tilespmem:s3+$0x1F0] =	vst v3  }
.Ltmp1:
0x156: {  	v14 =	vld.idx.msk [tilespmem:v14+s18+$0x0], $0xffff;
	[tilespmem:s3+$0x90] =	vst v18;
	(pc) =	sbr.rel @p1 .LBB2_5-.Ltmp1, $4  }
0x157: {  	v13 =	vld.idx.msk [tilespmem:v13+s18+$0x0], $0xffff;
	[tilespmem:s3+$0xA0] =	vst v20  }
0x158: {  	v16 =	vld.idx.msk [tilespmem:v10+s18+$0x0], $0xffff;
	[tilespmem:s3+$0xB0] =	vst v19  }
0x159: {  	v3 =	vld.idx.msk [tilespmem:v12+s18+$0x0], $0xffff;
	[tilespmem:s3+$0xC0] =	vst v21  }
0x15a: {  	s15 =	sadd.s32 $0x80, s15;
	v10 =	vld.idx.msk [tilespmem:v11+s18+$0x0], $0xffff;
	[tilespmem:s3+$0xD0] =	vst v17  }
0x15b: {  	_ =	sdelay $0x2  }
0x15c: {  	[tilespmem:s3+$0xE0] =	vst v15  }
0x15d: {  	[tilespmem:s3+$0x100] =	vst v14;
	v8 =	vld.idx.msk [tilespmem:v8+s18+$0x0], $0xffff  }
0x15e: {  	[tilespmem:s3+$0x110] =	vst v13;
	v9 =	vld.idx.msk [tilespmem:v9+s18+$0x0], $0xffff  }
0x15f: {  	v7 =	vld.idx.msk [tilespmem:v7+s18+$0x0], $0xffff;
	[tilespmem:s3+$0x120] =	vst v16  }
0x160: {  	[tilespmem:s3+$0x130] =	vst v3;
	v3 =	vld.idx.msk [tilespmem:v6+s18+$0x0], $0xffff  }
0x161: {  	v5 =	vld.idx.msk [tilespmem:v5+s18+$0x0], $0xffff;
	[tilespmem:s3+$0x140] =	vst v10  }
0x162: {  	v4 =	vld.idx.msk [tilespmem:v4+s18+$0x0], $0xffff;
	[tilespmem:s3+$0x150] =	vst v8  }
0x163: {  	v2 =	vld.idx.msk [tilespmem:v2+s18+$0x0], $0xffff;
	[tilespmem:s3+$0x160] =	vst v9  }
0x164: {  	[tilespmem:s3+$0x180] =	vst v7;
	v1 =	vld.idx.msk [tilespmem:v1+s18+$0x0], $0xffff  }
0x165: {  	v0 =	vld.idx.msk [tilespmem:v0+s18+$0x0], $0xffff;
	[tilespmem:s9+$0x190] =	vst v3  }
0x166: {  	s10 =	sshll.u32 s31, $0x5;
	[tilespmem:s9+$0x1A0] =	vst v5  }
0x167: {  	s3 =	sadd.s32 s10, s6;
	[tilespmem:s9+$0x1B0] =	vst v4  }
0x168: {  	s3 =	sshll.u32 s3, $0x8;
	[tilespmem:s9+$0x1C0] =	vst v2  }
0x169: {  	s3 =	sadd.s32 s4, s3;
	[tilespmem:s9+$0x1D0] =	vst v1  }
0x16a: {  	s7 =	sadd.s32 $0x800, s3;
	[tilespmem:s9+$0x1E0] =	vst v0  }
0x16b: {  	[hbm4b:s7+s5] =	stream.linear.scatter [tilespmem:s24], [sflag:$0x6], $0x4000, $0x38;
	[tilespmem:$0x18800] =	vst v63  }
0x16c: {  	s7 =	sadd.s32 @!p0 s12, s2  }
0x16d: {  	s7 =	sshll.u32 @!p0 s7, $0xB  }
0x16e: {  	s10 =	simm.s32 @!p0 $0x4800;
	s9 =	simm.s32 @!p0 $0x0;
	s7 =	sadd.s32 @!p0 s1, s7  }
0x16f: {  	[tilespmem:s10], [sflag:$0x2] =	stream.linear.gather @!p0 [hbm4b:s7+s9], $0x4000, $0x38;
	[tilespmem:$0x18800] =	vst v63  }
0x170: {  	_ =	swait.ge [sflag:s25], $0x4000  }
0x171: {  	[sflag:s25] =	ssyncset.done $0x0  }
0x172: {  	[sflag:s25] =	ssyncadd.s32 $0xFFFFC000  }
0x173: {  	_ =	swait.ge [sflag:s26], $0x4000  }
0x174: {  	[sflag:s26] =	ssyncset.done $0x0  }
0x175: {  	s15 =	simm.s32 $0x40;
	[sflag:s26] =	ssyncadd.s32 $0xFFFFC000  }
0x176: {  	v0 =	vld [tilespmem:s15+$0x30];
	_ =	sdelay $0x3  }
0x177: {  	v1 =	vld [tilespmem:s15+$0xFFFFFFD0]  }
0x178: {  	v2 =	vshll.u32 v0, $0x3  }
0x179: {  	v3 =	vld [tilespmem:s15+$0xFFFFFFE0];
	v0 =	vand.u32 $0x7F, v0;
	v2 =	vand.u32 $0xFFFFFC00, v2  }
0x17a: {  	v5 =	vld [tilespmem:s15+$0xFFFFFFC0];
	v4 =	vor.u32 v0, v2;
	_ =	sdelay $0x1  }
0x17b: {  	v2 =	vld [tilespmem:s15+$0xFFFFFFF0];
	v0 =	vshll.u32 v1, $0x3  }
0x17c: {  	v7 =	vld [tilespmem:s15+$0x10];
	v1 =	vand.u32 $0x7F, v1;
	v8 =	vand.u32 $0xFFFFFC00, v0  }
0x17d: {  	v6 =	vld [tilespmem:s15+$0x0];
	v0 =	vshll.u32 v3, $0x3;
	v1 =	vor.u32 v1, v8  }
0x17e: {  	v11 =	vor.u32 $0x80, v4;
	v9 =	vand.u32 $0xFFFFFC00, v0;
	v0 =	vshll.u32 v5, $0x3;
	v10 =	vld.idx.msk [tilespmem:v4+s19+$0x0], $0xffff  }
0x17f: {  	v12 =	vld [tilespmem:s15+$0x20];
	v3 =	vand.u32 $0x7F, v3;
	v5 =	vand.u32 $0x7F, v5;
	v0 =	vand.u32 $0xFFFFFC00, v0  }
0x180: {  	v0 =	vor.u32 v5, v0;
	v13 =	vshll.u32 v2, $0x3;
	v8 =	vand.u32 $0x7F, v2  }
0x181: {  	v2 =	vor.u32 v3, v9;
	v9 =	vshll.u32 v7, $0x3;
	v5 =	vand.u32 $0xFFFFFC00, v13  }
0x182: {  	s9 =	simm.s32 $0x10A00;
	v13 =	vshll.u32 v6, $0x3;
	v3 =	vor.u32 v8, v5;
	v5 =	vand.u32 $0xFFFFFC00, v9;
	v9 =	vld.idx.msk [tilespmem:v1+s19+$0x0], $0xffff  }
0x183: {  	v15 =	vor.u32 $0x80, v1;
	v6 =	vand.u32 $0x7F, v6;
	v13 =	vand.u32 $0xFFFFFC00, v13;
	[tilespmem:s9+$0xFFFFFE70] =	vst v10  }
0x184: {  	v7 =	vand.u32 $0x7F, v7;
	v8 =	vshll.u32 v12, $0x3;
	v10 =	vor.u32 v6, v13;
	v6 =	vld.idx.msk [tilespmem:v11+s19+$0x0], $0xffff  }
0x185: {  	v11 =	vor.u32 v7, v5;
	v5 =	vld.idx.msk [tilespmem:v0+s19+$0x0], $0xffff;
	v7 =	vand.u32 $0xFFFFFC00, v8;
	v8 =	vand.u32 $0x7F, v12  }
0x186: {  	v13 =	vor.u32 $0x100, v4;
	v12 =	vor.u32 v8, v7;
	v7 =	vld.idx.msk [tilespmem:v2+s19+$0x0], $0xffff  }
0x187: {  	v8 =	vor.u32 $0x80, v0;
	v14 =	vld.idx.msk [tilespmem:v3+s19+$0x0], $0xffff;
	[tilespmem:s9+$0xFFFFFE10] =	vst v9  }
0x188: {  	v15 =	vld.idx.msk [tilespmem:v15+s19+$0x0], $0xffff  }
0x189: {  	v17 =	vor.u32 $0x80, v2;
	v16 =	vld.idx.msk [tilespmem:v10+s19+$0x0], $0xffff  }
0x18a: {  	v18 =	vld.idx.msk [tilespmem:v11+s19+$0x0], $0xffff;
	[tilespmem:s9+$0xFFFFFEF0] =	vst v6;
	v6 =	vor.u32 $0x80, v3  }
0x18b: {  	[tilespmem:s9+$0xFFFFFE00] =	vst v5;
	v5 =	vld.idx.msk [tilespmem:v13+s19+$0x0], $0xffff;
	v13 =	vor.u32 $0x80, v10  }
0x18c: {  	v19 =	vor.u32 $0x80, v11;
	v8 =	vld.idx.msk [tilespmem:v8+s19+$0x0], $0xffff;
	[tilespmem:s9+$0xFFFFFE20] =	vst v7  }
0x18d: {  	v9 =	vld.idx.msk [tilespmem:v12+s19+$0x0], $0xffff;
	v7 =	vor.u32 $0x180, v4;
	[tilespmem:s9+$0xFFFFFE30] =	vst v14  }
0x18e: {  	v14 =	vor.u32 $0x80, v12;
	v17 =	vld.idx.msk [tilespmem:v17+s19+$0x0], $0xffff;
	[tilespmem:s9+$0xFFFFFE40] =	vst v16  }
0x18f: {  	v16 =	vor.u32 $0x100, v0;
	v6 =	vld.idx.msk [tilespmem:v6+s19+$0x0], $0xffff;
	[tilespmem:s9+$0xFFFFFE50] =	vst v18  }
0x190: {  	v18 =	vor.u32 $0x100, v1;
	v13 =	vld.idx.msk [tilespmem:v13+s19+$0x0], $0xffff;
	[tilespmem:s9+$0xFFFFFF70] =	vst v5  }
0x191: {  	v5 =	vor.u32 $0x100, v2;
	[tilespmem:s9+$0xFFFFFE80] =	vst v8;
	v8 =	vld.idx.msk [tilespmem:v19+s19+$0x0], $0xffff  }
0x192: {  	[tilespmem:s9+$0xFFFFFE60] =	vst v9;
	v9 =	vor.u32 $0x100, v3;
	v7 =	vld.idx.msk [tilespmem:v7+s19+$0x0], $0xffff  }
0x193: {  	[tilespmem:s9+$0xFFFFFE90] =	vst v15;
	v19 =	vor.u32 $0x100, v10;
	v14 =	vld.idx.msk [tilespmem:v14+s19+$0x0], $0xffff  }
0x194: {  	[tilespmem:s9+$0xFFFFFEA0] =	vst v17;
	v17 =	vor.u32 $0x100, v11;
	v16 =	vld.idx.msk [tilespmem:v16+s19+$0x0], $0xffff  }
0x195: {  	v15 =	vor.u32 $0x200, v4;
	v18 =	vld.idx.msk [tilespmem:v18+s19+$0x0], $0xffff;
	[tilespmem:s9+$0xFFFFFEB0] =	vst v6  }
0x196: {  	v6 =	vor.u32 $0x100, v12;
	v5 =	vld.idx.msk [tilespmem:v5+s19+$0x0], $0xffff;
	[tilespmem:s9+$0xFFFFFEC0] =	vst v13  }
0x197: {  	v13 =	vor.u32 $0x180, v0;
	v9 =	vld.idx.msk [tilespmem:v9+s19+$0x0], $0xffff;
	[tilespmem:s9+$0xFFFFFED0] =	vst v8  }
0x198: {  	[tilespmem:s9+$0xFFFFFFF0] =	vst v7;
	v7 =	vor.u32 $0x180, v1;
	v19 =	vld.idx.msk [tilespmem:v19+s19+$0x0], $0xffff  }
0x199: {  	[tilespmem:s9+$0xFFFFFEE0] =	vst v14;
	v14 =	vld.idx.msk [tilespmem:v17+s19+$0x0], $0xffff;
	v17 =	vor.u32 $0x180, v3  }
0x19a: {  	v8 =	vld.idx.msk [tilespmem:v15+s19+$0x0], $0xffff;
	v15 =	vor.u32 $0x180, v2;
	[tilespmem:s9+$0xFFFFFF00] =	vst v16  }
0x19b: {  	v16 =	vor.u32 $0x280, v4;
	[tilespmem:s9+$0xFFFFFF10] =	vst v18;
	v6 =	vld.idx.msk [tilespmem:v6+s19+$0x0], $0xffff  }
0x19c: {  	v18 =	vor.u32 $0x180, v10;
	v13 =	vld.idx.msk [tilespmem:v13+s19+$0x0], $0xffff;
	[tilespmem:s9+$0xFFFFFF20] =	vst v5  }
0x19d: {  	v5 =	vor.u32 $0x180, v11;
	[tilespmem:s9+$0xFFFFFF30] =	vst v9;
	v7 =	vld.idx.msk [tilespmem:v7+s19+$0x0], $0xffff  }
0x19e: {  	v9 =	vor.u32 $0x180, v12;
	[tilespmem:s9+$0xFFFFFF40] =	vst v19;
	v17 =	vld.idx.msk [tilespmem:v17+s19+$0x0], $0xffff  }
0x19f: {  	v15 =	vld.idx.msk [tilespmem:v15+s19+$0x0], $0xffff;
	[tilespmem:s9+$0x70] =	vst v8;
	v8 =	vor.u32 $0x200, v0  }
0x1a0: {  	v19 =	vor.u32 $0x200, v1;
	[tilespmem:s9+$0xFFFFFF50] =	vst v14;
	v16 =	vld.idx.msk [tilespmem:v16+s19+$0x0], $0xffff  }
0x1a1: {  	v14 =	vld.idx.msk [tilespmem:v18+s19+$0x0], $0xffff;
	[tilespmem:s9+$0xFFFFFF60] =	vst v6;
	v6 =	vor.u32 $0x300, v4  }
0x1a2: {  	v18 =	vor.u32 $0x200, v2;
	[tilespmem:s9+$0xFFFFFF80] =	vst v13;
	v5 =	vld.idx.msk [tilespmem:v5+s19+$0x0], $0xffff  }
0x1a3: {  	v13 =	vor.u32 $0x200, v3;
	[tilespmem:s9+$0xFFFFFF90] =	vst v7;
	v7 =	vld.idx.msk [tilespmem:v9+s19+$0x0], $0xffff  }
0x1a4: {  	v9 =	vor.u32 $0x200, v10;
	v8 =	vld.idx.msk [tilespmem:v8+s19+$0x0], $0xffff;
	[tilespmem:s9+$0xFFFFFFA0] =	vst v15  }
0x1a5: {  	v15 =	vor.u32 $0x200, v11;
	v19 =	vld.idx.msk [tilespmem:v19+s19+$0x0], $0xffff;
	[tilespmem:s9+$0xF0] =	vst v16  }
0x1a6: {  	[tilespmem:s9+$0xFFFFFFB0] =	vst v17;
	v16 =	vor.u32 $0x200, v12;
	v6 =	vld.idx.msk [tilespmem:v6+s19+$0x0], $0xffff  }
0x1a7: {  	v17 =	vor.u32 $0x280, v0;
	v18 =	vld.idx.msk [tilespmem:v18+s19+$0x0], $0xffff;
	[tilespmem:s9+$0xFFFFFFC0] =	vst v14  }
0x1a8: {  	v4 =	vor.u32 $0x380, v4;
	v13 =	vld.idx.msk [tilespmem:v13+s19+$0x0], $0xffff;
	[tilespmem:s9+$0xFFFFFFD0] =	vst v5  }
0x1a9: {  	v5 =	vor.u32 $0x280, v1;
	v9 =	vld.idx.msk [tilespmem:v9+s19+$0x0], $0xffff;
	[tilespmem:s9+$0xFFFFFFE0] =	vst v7  }
0x1aa: {  	v7 =	vor.u32 $0x280, v2;
	[tilespmem:s9+$0x0] =	vst v8;
	v8 =	vld.idx.msk [tilespmem:v15+s19+$0x0], $0xffff  }
0x1ab: {  	v14 =	vor.u32 $0x280, v3;
	[tilespmem:s9+$0x10] =	vst v19;
	v15 =	vld.idx.msk [tilespmem:v16+s19+$0x0], $0xffff  }
0x1ac: {  	v16 =	vor.u32 $0x280, v10;
	v17 =	vld.idx.msk [tilespmem:v17+s19+$0x0], $0xffff;
	[tilespmem:s9+$0x170] =	vst v6  }
0x1ad: {  	v6 =	vor.u32 $0x280, v11;
	[tilespmem:s9+$0x20] =	vst v18;
	v4 =	vld.idx.msk [tilespmem:v4+s19+$0x0], $0xffff  }
0x1ae: {  	v18 =	vor.u32 $0x280, v12;
	v5 =	vld.idx.msk [tilespmem:v5+s19+$0x0], $0xffff;
	[tilespmem:s9+$0x30] =	vst v13  }
0x1af: {  	v13 =	vor.u32 $0x300, v0;
	v7 =	vld.idx.msk [tilespmem:v7+s19+$0x0], $0xffff;
	[tilespmem:s9+$0x40] =	vst v9  }
0x1b0: {  	v9 =	vor.u32 $0x300, v1;
	v19 =	vld.idx.msk [tilespmem:v14+s19+$0x0], $0xffff;
	[tilespmem:s9+$0x50] =	vst v8  }
0x1b1: {  	v20 =	vor.u32 $0x300, v2;
	v21 =	vld.idx.msk [tilespmem:v16+s19+$0x0], $0xffff;
	[tilespmem:s9+$0x60] =	vst v15  }
0x1b2: {  	v22 =	vor.u32 $0x300, v3;
	[tilespmem:s9+$0x80] =	vst v17;
	v17 =	vld.idx.msk [tilespmem:v6+s19+$0x0], $0xffff  }
0x1b3: {  	v23 =	vor.u32 $0x300, v10;
	v15 =	vld.idx.msk [tilespmem:v18+s19+$0x0], $0xffff;
	[tilespmem:s9+$0x1F0] =	vst v4  }
0x1b4: {  	v14 =	vld.idx.msk [tilespmem:v13+s19+$0x0], $0xffff;
	[tilespmem:s9+$0x90] =	vst v5  }
0x1b5: {  	v13 =	vld.idx.msk [tilespmem:v9+s19+$0x0], $0xffff;
	[tilespmem:s9+$0xA0] =	vst v7  }
0x1b6: {  	v8 =	vor.u32 $0x300, v11;
	v6 =	vor.u32 $0x380, v1;
	v1 =	vor.u32 $0x380, v11;
	[tilespmem:s9+$0xB0] =	vst v19;
	v16 =	vld.idx.msk [tilespmem:v20+s19+$0x0], $0xffff  }
0x1b7: {  	v5 =	vor.u32 $0x380, v2;
	v4 =	vor.u32 $0x380, v3;
	v2 =	vor.u32 $0x380, v10;
	v3 =	vld.idx.msk [tilespmem:v22+s19+$0x0], $0xffff;
	[tilespmem:s9+$0xC0] =	vst v21  }
0x1b8: {  	s7 =	simm.s32 $0xC0;
	s10 =	simm.s32 $0x10A00;
	s15 =	simm.s32 $0x0;
	v7 =	vor.u32 $0x380, v0;
	v9 =	vor.u32 $0x300, v12;
	v0 =	vor.u32 $0x380, v12;
	v10 =	vld.idx.msk [tilespmem:v23+s19+$0x0], $0xffff;
	[tilespmem:s9+$0xD0] =	vst v17  }
.LBB2_7:
0x1b9: {  	v11 =	vld [tilespmem:s7+$0x30];
	s15 =	sadd.s32 $0x8, s15;
	[tilespmem:s9+$0xE0] =	vst v15  }
0x1ba: {  	v12 =	vld [tilespmem:s7+$0xFFFFFFD0];
	p1 =	slt.u32 s15, $0x78;
	[tilespmem:s9+$0x100] =	vst v14  }
0x1bb: {  	v14 =	vld [tilespmem:s7+$0xFFFFFFE0];
	[tilespmem:s9+$0x110] =	vst v13  }
0x1bc: {  	v13 =	vld [tilespmem:s7+$0xFFFFFFF0];
	[tilespmem:s9+$0x120] =	vst v16  }
0x1bd: {  	v15 =	vld [tilespmem:s7+$0x0];
	[tilespmem:s9+$0x130] =	vst v3  }
0x1be: {  	v16 =	vld [tilespmem:s7+$0x10];
	v3 =	vshll.u32 v11, $0x3;
	[tilespmem:s9+$0x140] =	vst v10  }
0x1bf: {  	v11 =	vand.u32 $0x7F, v11;
	v10 =	vshll.u32 v12, $0x3;
	v17 =	vld [tilespmem:s7+$0x20];
	v3 =	vand.u32 $0xFFFFFC00, v3  }
0x1c0: {  	v18 =	vld [tilespmem:s7+$0xFFFFFFC0];
	v10 =	vand.u32 $0xFFFFFC00, v10;
	v19 =	vshll.u32 v14, $0x3;
	v3 =	vor.u32 v11, v3  }
0x1c1: {  	v11 =	vand.u32 $0x7F, v12;
	v12 =	vand.u32 $0xFFFFFC00, v19;
	v19 =	vshll.u32 v13, $0x3;
	v8 =	vld.idx.msk [tilespmem:v8+s19+$0x0], $0xffff  }
0x1c2: {  	v14 =	vand.u32 $0x7F, v14;
	v19 =	vand.u32 $0xFFFFFC00, v19;
	v20 =	vshll.u32 v15, $0x3;
	v9 =	vld.idx.msk [tilespmem:v9+s19+$0x0], $0xffff  }
0x1c3: {  	v13 =	vand.u32 $0x7F, v13;
	v20 =	vand.u32 $0xFFFFFC00, v20;
	v21 =	vshll.u32 v16, $0x3;
	v7 =	vld.idx.msk [tilespmem:v7+s19+$0x0], $0xffff  }
0x1c4: {  	v15 =	vand.u32 $0x7F, v15;
	v21 =	vand.u32 $0xFFFFFC00, v21;
	v22 =	vshll.u32 v17, $0x3;
	v6 =	vld.idx.msk [tilespmem:v6+s19+$0x0], $0xffff  }
0x1c5: {  	v23 =	vand.u32 $0x7F, v18;
	v18 =	vshll.u32 v18, $0x3;
	v22 =	vand.u32 $0xFFFFFC00, v22;
	v24 =	vld.idx.msk [tilespmem:v3+s19+$0x0], $0xffff  }
0x1c6: {  	v16 =	vand.u32 $0x7F, v16;
	v17 =	vand.u32 $0x7F, v17;
	v18 =	vand.u32 $0xFFFFFC00, v18;
	v5 =	vld.idx.msk [tilespmem:v5+s19+$0x0], $0xffff  }
0x1c7: {  	v25 =	vor.u32 v11, v10;
	v10 =	vor.u32 $0x80, v3;
	v23 =	vor.u32 v23, v18;
	v4 =	vld.idx.msk [tilespmem:v4+s19+$0x0], $0xffff;
	[tilespmem:s9+$0x150] =	vst v8  }
0x1c8: {  	v26 =	vor.u32 v14, v12;
	v27 =	vor.u32 v13, v19;
	v28 =	vor.u32 v15, v20;
	[tilespmem:s9+$0x160] =	vst v9  }
0x1c9: {  	v21 =	vor.u32 v16, v21;
	v22 =	vor.u32 v17, v22;
	v8 =	vor.u32 $0x80, v23;
	[tilespmem:s9+$0x180] =	vst v7;
	v2 =	vld.idx.msk [tilespmem:v2+s19+$0x0], $0xffff  }
0x1ca: {  	v29 =	vor.u32 $0x80, v27;
	v9 =	vor.u32 $0x80, v26;
	v7 =	vor.u32 $0x80, v25;
	s9 =	sadd.s32 $0x400, s9;
	[tilespmem:s10+$0x190] =	vst v6;
	v1 =	vld.idx.msk [tilespmem:v1+s19+$0x0], $0xffff  }
0x1cb: {  	v30 =	vor.u32 $0x80, v28;
	v31 =	vor.u32 $0x80, v21;
	v32 =	vor.u32 $0x80, v22;
	[tilespmem:s9+$0xFFFFFE70] =	vst v24;
	v0 =	vld.idx.msk [tilespmem:v0+s19+$0x0], $0xffff  }
0x1cc: {  	v33 =	vor.u32 $0x100, v25;
	v34 =	vor.u32 $0x100, v26;
	v24 =	vor.u32 $0x100, v23;
	v6 =	vld.idx.msk [tilespmem:v10+s19+$0x0], $0xffff;
	[tilespmem:s10+$0x1A0] =	vst v5  }
0x1cd: {  	v35 =	vor.u32 $0x100, v27;
	v36 =	vor.u32 $0x100, v28;
	v37 =	vor.u32 $0x100, v21;
	v5 =	vld.idx.msk [tilespmem:v23+s19+$0x0], $0xffff;
	[tilespmem:s10+$0x1B0] =	vst v4  }
0x1ce: {  	v39 =	vor.u32 $0x100, v22;
	v38 =	vor.u32 $0x180, v23;
	v10 =	vor.u32 $0x100, v3;
	v4 =	vld.idx.msk [tilespmem:v25+s19+$0x0], $0xffff  }
0x1cf: {  	v40 =	vor.u32 $0x180, v25;
	v41 =	vor.u32 $0x180, v26;
	v42 =	vor.u32 $0x180, v27;
	v11 =	vld.idx.msk [tilespmem:v26+s19+$0x0], $0xffff;
	[tilespmem:s10+$0x1C0] =	vst v2  }
0x1d0: {  	v43 =	vor.u32 $0x180, v28;
	v44 =	vor.u32 $0x180, v21;
	v45 =	vor.u32 $0x180, v22;
	v2 =	vld.idx.msk [tilespmem:v27+s19+$0x0], $0xffff;
	[tilespmem:s10+$0x1D0] =	vst v1  }
0x1d1: {  	v47 =	vor.u32 $0x200, v25;
	v48 =	vor.u32 $0x200, v26;
	v46 =	vor.u32 $0x200, v23;
	v1 =	vld.idx.msk [tilespmem:v28+s19+$0x0], $0xffff;
	[tilespmem:s10+$0x1E0] =	vst v0;
	s10 =	smov.u32 s9  }
0x1d2: {  	v49 =	vor.u32 $0x200, v27;
	v50 =	vor.u32 $0x200, v28;
	v51 =	vor.u32 $0x200, v21;
	v0 =	vld.idx.msk [tilespmem:v21+s19+$0x0], $0xffff;
	[tilespmem:s9+$0xFFFFFEF0] =	vst v6  }
0x1d3: {  	v18 =	vor.u32 $0x280, v25;
	v53 =	vor.u32 $0x200, v22;
	v52 =	vor.u32 $0x280, v23;
	[tilespmem:s9+$0xFFFFFE00] =	vst v5;
	v54 =	vld.idx.msk [tilespmem:v10+s19+$0x0], $0xffff  }
0x1d4: {  	v20 =	vor.u32 $0x280, v26;
	v19 =	vor.u32 $0x280, v27;
	v15 =	vor.u32 $0x280, v28;
	[tilespmem:s9+$0xFFFFFE10] =	vst v4;
	v55 =	vld.idx.msk [tilespmem:v22+s19+$0x0], $0xffff  }
0x1d5: {  	v57 =	vor.u32 $0x180, v3;
	v17 =	vor.u32 $0x280, v21;
	v16 =	vor.u32 $0x280, v22;
	v56 =	vld.idx.msk [tilespmem:v8+s19+$0x0], $0xffff;
	[tilespmem:s9+$0xFFFFFE20] =	vst v11  }
0x1d6: {  	v13 =	vor.u32 $0x300, v25;
	v14 =	vor.u32 $0x300, v23;
	v10 =	vor.u32 $0x300, v26;
	v58 =	vld.idx.msk [tilespmem:v7+s19+$0x0], $0xffff;
	[tilespmem:s9+$0xFFFFFE30] =	vst v2  }
0x1d7: {  	v12 =	vor.u32 $0x300, v27;
	v11 =	vor.u32 $0x300, v28;
	v8 =	vor.u32 $0x300, v21;
	v59 =	vld.idx.msk [tilespmem:v9+s19+$0x0], $0xffff;
	[tilespmem:s9+$0xFFFFFE40] =	vst v1  }
0x1d8: {  	v6 =	vor.u32 $0x380, v25;
	v7 =	vor.u32 $0x380, v23;
	v9 =	vor.u32 $0x300, v22;
	v23 =	vld.idx.msk [tilespmem:v29+s19+$0x0], $0xffff;
	[tilespmem:s9+$0xFFFFFE50] =	vst v0  }
0x1d9: {  	v5 =	vor.u32 $0x380, v26;
	v4 =	vor.u32 $0x380, v27;
	v2 =	vor.u32 $0x380, v28;
	v25 =	vld.idx.msk [tilespmem:v30+s19+$0x0], $0xffff;
	[tilespmem:s9+$0xFFFFFF70] =	vst v54  }
0x1da: {  	v1 =	vor.u32 $0x380, v21;
	v0 =	vor.u32 $0x380, v22;
	[tilespmem:s9+$0xFFFFFE60] =	vst v55;
	v21 =	vld.idx.msk [tilespmem:v57+s19+$0x0], $0xffff  }
0x1db: {  	[tilespmem:s9+$0xFFFFFE80] =	vst v56;
	v22 =	vld.idx.msk [tilespmem:v31+s19+$0x0], $0xffff  }
0x1dc: {  	v27 =	vor.u32 $0x200, v3;
	[tilespmem:s9+$0xFFFFFE90] =	vst v58;
	v26 =	vld.idx.msk [tilespmem:v32+s19+$0x0], $0xffff  }
0x1dd: {  	v24 =	vld.idx.msk [tilespmem:v24+s19+$0x0], $0xffff;
	[tilespmem:s9+$0xFFFFFEA0] =	vst v59  }
0x1de: {  	v28 =	vld.idx.msk [tilespmem:v33+s19+$0x0], $0xffff;
	[tilespmem:s9+$0xFFFFFEB0] =	vst v23  }
0x1df: {  	v23 =	vld.idx.msk [tilespmem:v34+s19+$0x0], $0xffff;
	[tilespmem:s9+$0xFFFFFEC0] =	vst v25  }
0x1e0: {  	v25 =	vld.idx.msk [tilespmem:v35+s19+$0x0], $0xffff;
	[tilespmem:s9+$0xFFFFFFF0] =	vst v21  }
0x1e1: {  	[tilespmem:s9+$0xFFFFFED0] =	vst v22;
	v21 =	vld.idx.msk [tilespmem:v27+s19+$0x0], $0xffff  }
0x1e2: {  	v22 =	vld.idx.msk [tilespmem:v36+s19+$0x0], $0xffff;
	[tilespmem:s9+$0xFFFFFEE0] =	vst v26  }
0x1e3: {  	v26 =	vor.u32 $0x280, v3;
	[tilespmem:s9+$0xFFFFFF00] =	vst v24;
	v24 =	vld.idx.msk [tilespmem:v37+s19+$0x0], $0xffff  }
0x1e4: {  	[tilespmem:s9+$0xFFFFFF10] =	vst v28;
	v27 =	vld.idx.msk [tilespmem:v39+s19+$0x0], $0xffff  }
0x1e5: {  	v28 =	vld.idx.msk [tilespmem:v38+s19+$0x0], $0xffff;
	[tilespmem:s9+$0xFFFFFF20] =	vst v23  }
0x1e6: {  	v23 =	vld.idx.msk [tilespmem:v40+s19+$0x0], $0xffff;
	[tilespmem:s9+$0xFFFFFF30] =	vst v25  }
0x1e7: {  	v25 =	vld.idx.msk [tilespmem:v41+s19+$0x0], $0xffff;
	[tilespmem:s9+$0x70] =	vst v21  }
0x1e8: {  	[tilespmem:s9+$0xFFFFFF40] =	vst v22;
	v21 =	vld.idx.msk [tilespmem:v26+s19+$0x0], $0xffff  }
0x1e9: {  	v22 =	vld.idx.msk [tilespmem:v42+s19+$0x0], $0xffff;
	[tilespmem:s9+$0xFFFFFF50] =	vst v24  }
0x1ea: {  	v26 =	vor.u32 $0x300, v3;
	v24 =	vld.idx.msk [tilespmem:v43+s19+$0x0], $0xffff;
	[tilespmem:s9+$0xFFFFFF60] =	vst v27  }
0x1eb: {  	[tilespmem:s9+$0xFFFFFF80] =	vst v28;
	v27 =	vld.idx.msk [tilespmem:v44+s19+$0x0], $0xffff  }
0x1ec: {  	[tilespmem:s9+$0xFFFFFF90] =	vst v23;
	v23 =	vld.idx.msk [tilespmem:v45+s19+$0x0], $0xffff  }
0x1ed: {  	v28 =	vld.idx.msk [tilespmem:v46+s19+$0x0], $0xffff;
	[tilespmem:s9+$0xFFFFFFA0] =	vst v25  }
0x1ee: {  	v25 =	vld.idx.msk [tilespmem:v47+s19+$0x0], $0xffff;
	[tilespmem:s9+$0xF0] =	vst v21  }
0x1ef: {  	[tilespmem:s9+$0xFFFFFFB0] =	vst v22;
	v21 =	vld.idx.msk [tilespmem:v26+s19+$0x0], $0xffff  }
0x1f0: {  	v22 =	vld.idx.msk [tilespmem:v48+s19+$0x0], $0xffff;
	[tilespmem:s9+$0xFFFFFFC0] =	vst v24  }
0x1f1: {  	v3 =	vor.u32 $0x380, v3;
	v24 =	vld.idx.msk [tilespmem:v49+s19+$0x0], $0xffff;
	[tilespmem:s9+$0xFFFFFFD0] =	vst v27  }
0x1f2: {  	v26 =	vld.idx.msk [tilespmem:v50+s19+$0x0], $0xffff;
	[tilespmem:s9+$0xFFFFFFE0] =	vst v23  }
0x1f3: {  	[tilespmem:s9+$0x0] =	vst v28;
	v23 =	vld.idx.msk [tilespmem:v51+s19+$0x0], $0xffff  }
0x1f4: {  	[tilespmem:s9+$0x10] =	vst v25;
	v25 =	vld.idx.msk [tilespmem:v53+s19+$0x0], $0xffff  }
0x1f5: {  	v27 =	vld.idx.msk [tilespmem:v52+s19+$0x0], $0xffff;
	[tilespmem:s9+$0x170] =	vst v21  }
0x1f6: {  	[tilespmem:s9+$0x20] =	vst v22;
	v3 =	vld.idx.msk [tilespmem:v3+s19+$0x0], $0xffff  }
0x1f7: {  	v18 =	vld.idx.msk [tilespmem:v18+s19+$0x0], $0xffff;
	[tilespmem:s9+$0x30] =	vst v24  }
0x1f8: {  	v20 =	vld.idx.msk [tilespmem:v20+s19+$0x0], $0xffff;
	[tilespmem:s9+$0x40] =	vst v26  }
0x1f9: {  	v19 =	vld.idx.msk [tilespmem:v19+s19+$0x0], $0xffff;
	[tilespmem:s9+$0x50] =	vst v23  }
0x1fa: {  	v21 =	vld.idx.msk [tilespmem:v15+s19+$0x0], $0xffff;
	[tilespmem:s9+$0x60] =	vst v25  }
0x1fb: {  	[tilespmem:s9+$0x80] =	vst v27;
	v17 =	vld.idx.msk [tilespmem:v17+s19+$0x0], $0xffff  }
0x1fc: {  	v15 =	vld.idx.msk [tilespmem:v16+s19+$0x0], $0xffff;
	[tilespmem:s9+$0x1F0] =	vst v3  }
.Ltmp2:
0x1fd: {  	v14 =	vld.idx.msk [tilespmem:v14+s19+$0x0], $0xffff;
	[tilespmem:s9+$0x90] =	vst v18;
	(pc) =	sbr.rel @p1 .LBB2_7-.Ltmp2, $4  }
0x1fe: {  	v13 =	vld.idx.msk [tilespmem:v13+s19+$0x0], $0xffff;
	[tilespmem:s9+$0xA0] =	vst v20  }
0x1ff: {  	v16 =	vld.idx.msk [tilespmem:v10+s19+$0x0], $0xffff;
	[tilespmem:s9+$0xB0] =	vst v19  }
0x200: {  	v3 =	vld.idx.msk [tilespmem:v12+s19+$0x0], $0xffff;
	[tilespmem:s9+$0xC0] =	vst v21  }
0x201: {  	s7 =	sadd.s32 $0x80, s7;
	v10 =	vld.idx.msk [tilespmem:v11+s19+$0x0], $0xffff;
	[tilespmem:s9+$0xD0] =	vst v17  }
0x202: {  	_ =	sdelay $0x2  }
0x203: {  	[tilespmem:s9+$0xE0] =	vst v15  }
0x204: {  	[tilespmem:s9+$0x100] =	vst v14;
	v8 =	vld.idx.msk [tilespmem:v8+s19+$0x0], $0xffff  }
0x205: {  	[tilespmem:s9+$0x110] =	vst v13;
	v9 =	vld.idx.msk [tilespmem:v9+s19+$0x0], $0xffff  }
0x206: {  	v7 =	vld.idx.msk [tilespmem:v7+s19+$0x0], $0xffff;
	[tilespmem:s9+$0x120] =	vst v16  }
0x207: {  	[tilespmem:s9+$0x130] =	vst v3;
	v3 =	vld.idx.msk [tilespmem:v6+s19+$0x0], $0xffff  }
0x208: {  	v5 =	vld.idx.msk [tilespmem:v5+s19+$0x0], $0xffff;
	[tilespmem:s9+$0x140] =	vst v10  }
0x209: {  	v4 =	vld.idx.msk [tilespmem:v4+s19+$0x0], $0xffff;
	[tilespmem:s9+$0x150] =	vst v8  }
0x20a: {  	v2 =	vld.idx.msk [tilespmem:v2+s19+$0x0], $0xffff;
	[tilespmem:s9+$0x160] =	vst v9  }
0x20b: {  	[tilespmem:s9+$0x180] =	vst v7;
	v1 =	vld.idx.msk [tilespmem:v1+s19+$0x0], $0xffff  }
0x20c: {  	v0 =	vld.idx.msk [tilespmem:v0+s19+$0x0], $0xffff;
	[tilespmem:s10+$0x190] =	vst v3  }
0x20d: {  	[tilespmem:s10+$0x1A0] =	vst v5  }
0x20e: {  	[tilespmem:s10+$0x1B0] =	vst v4  }
0x20f: {  	s2 =	sadd.s32 @!p0 s13, s2;
	[tilespmem:s10+$0x1C0] =	vst v2  }
0x210: {  	s2 =	sshll.u32 @!p0 s2, $0xB;
	[tilespmem:s10+$0x1D0] =	vst v1  }
0x211: {  	s3 =	sadd.s32 $0x1000, s3;
	s2 =	sand.u32 @!p0 $0x1FFFF000, s2;
	[tilespmem:s10+$0x1E0] =	vst v0  }
0x212: {  	[hbm4b:s3+s5] =	stream.linear.scatter [tilespmem:s22], [sflag:$0x5], $0x4000, $0x38;
	[tilespmem:$0x18800] =	vst v63  }
0x213: {  	s7 =	simm.s32 @!p0 $0x8800;
	s2 =	sadd.s32 @!p0 s1, s2;
	s3 =	simm.s32 @!p0 $0x0  }
0x214: {  	[tilespmem:s7], [sflag:$0x3] =	stream.linear.gather @!p0 [hbm4b:s2+s3], $0x4000, $0x38;
	[tilespmem:$0x18800] =	vst v63  }
0x215: {  	_ =	swait.ge [sflag:s28], $0x4000  }
0x216: {  	[sflag:s28] =	ssyncset.done $0x0  }
0x217: {  	[sflag:s28] =	ssyncadd.s32 $0xFFFFC000  }
0x218: {  	_ =	swait.ge [sflag:s29], $0x4000  }
0x219: {  	[sflag:s29] =	ssyncset.done $0x0  }
0x21a: {  	s15 =	simm.s32 $0x40;
	[sflag:s29] =	ssyncadd.s32 $0xFFFFC000  }
0x21b: {  	v0 =	vld [tilespmem:s15+$0x30];
	_ =	sdelay $0x3  }
0x21c: {  	v1 =	vld [tilespmem:s15+$0xFFFFFFD0]  }
0x21d: {  	v2 =	vshll.u32 v0, $0x3  }
0x21e: {  	v3 =	vld [tilespmem:s15+$0xFFFFFFE0];
	v0 =	vand.u32 $0x7F, v0;
	v2 =	vand.u32 $0xFFFFFC00, v2  }
0x21f: {  	v5 =	vld [tilespmem:s15+$0xFFFFFFC0];
	v4 =	vor.u32 v0, v2;
	_ =	sdelay $0x1  }
0x220: {  	v2 =	vld [tilespmem:s15+$0xFFFFFFF0];
	v0 =	vshll.u32 v1, $0x3  }
0x221: {  	v7 =	vld [tilespmem:s15+$0x10];
	v1 =	vand.u32 $0x7F, v1;
	v8 =	vand.u32 $0xFFFFFC00, v0  }
0x222: {  	v6 =	vld [tilespmem:s15+$0x0];
	v0 =	vshll.u32 v3, $0x3;
	v1 =	vor.u32 v1, v8  }
0x223: {  	v11 =	vor.u32 $0x80, v4;
	v9 =	vand.u32 $0xFFFFFC00, v0;
	v0 =	vshll.u32 v5, $0x3;
	v10 =	vld.idx.msk [tilespmem:v4+s20+$0x0], $0xffff  }
0x224: {  	v12 =	vld [tilespmem:s15+$0x20];
	v3 =	vand.u32 $0x7F, v3;
	v5 =	vand.u32 $0x7F, v5;
	v0 =	vand.u32 $0xFFFFFC00, v0  }
0x225: {  	v0 =	vor.u32 v5, v0;
	v13 =	vshll.u32 v2, $0x3;
	v8 =	vand.u32 $0x7F, v2  }
0x226: {  	v2 =	vor.u32 v3, v9;
	v9 =	vshll.u32 v7, $0x3;
	v5 =	vand.u32 $0xFFFFFC00, v13  }
0x227: {  	s2 =	simm.s32 $0x14A00;
	v13 =	vshll.u32 v6, $0x3;
	v3 =	vor.u32 v8, v5;
	v5 =	vand.u32 $0xFFFFFC00, v9;
	v9 =	vld.idx.msk [tilespmem:v1+s20+$0x0], $0xffff  }
0x228: {  	v15 =	vor.u32 $0x80, v1;
	v6 =	vand.u32 $0x7F, v6;
	v13 =	vand.u32 $0xFFFFFC00, v13;
	[tilespmem:s2+$0xFFFFFE70] =	vst v10  }
0x229: {  	v7 =	vand.u32 $0x7F, v7;
	v8 =	vshll.u32 v12, $0x3;
	v10 =	vor.u32 v6, v13;
	v6 =	vld.idx.msk [tilespmem:v11+s20+$0x0], $0xffff  }
0x22a: {  	v11 =	vor.u32 v7, v5;
	v5 =	vld.idx.msk [tilespmem:v0+s20+$0x0], $0xffff;
	v7 =	vand.u32 $0xFFFFFC00, v8;
	v8 =	vand.u32 $0x7F, v12  }
0x22b: {  	v13 =	vor.u32 $0x100, v4;
	v12 =	vor.u32 v8, v7;
	v7 =	vld.idx.msk [tilespmem:v2+s20+$0x0], $0xffff  }
0x22c: {  	v8 =	vor.u32 $0x80, v0;
	v14 =	vld.idx.msk [tilespmem:v3+s20+$0x0], $0xffff;
	[tilespmem:s2+$0xFFFFFE10] =	vst v9  }
0x22d: {  	v15 =	vld.idx.msk [tilespmem:v15+s20+$0x0], $0xffff  }
0x22e: {  	v17 =	vor.u32 $0x80, v2;
	v16 =	vld.idx.msk [tilespmem:v10+s20+$0x0], $0xffff  }
0x22f: {  	v18 =	vld.idx.msk [tilespmem:v11+s20+$0x0], $0xffff;
	[tilespmem:s2+$0xFFFFFEF0] =	vst v6;
	v6 =	vor.u32 $0x80, v3  }
0x230: {  	[tilespmem:s2+$0xFFFFFE00] =	vst v5;
	v5 =	vld.idx.msk [tilespmem:v13+s20+$0x0], $0xffff;
	v13 =	vor.u32 $0x80, v10  }
0x231: {  	v19 =	vor.u32 $0x80, v11;
	v8 =	vld.idx.msk [tilespmem:v8+s20+$0x0], $0xffff;
	[tilespmem:s2+$0xFFFFFE20] =	vst v7  }
0x232: {  	v9 =	vld.idx.msk [tilespmem:v12+s20+$0x0], $0xffff;
	v7 =	vor.u32 $0x180, v4;
	[tilespmem:s2+$0xFFFFFE30] =	vst v14  }
0x233: {  	v14 =	vor.u32 $0x80, v12;
	v17 =	vld.idx.msk [tilespmem:v17+s20+$0x0], $0xffff;
	[tilespmem:s2+$0xFFFFFE40] =	vst v16  }
0x234: {  	v16 =	vor.u32 $0x100, v0;
	v6 =	vld.idx.msk [tilespmem:v6+s20+$0x0], $0xffff;
	[tilespmem:s2+$0xFFFFFE50] =	vst v18  }
0x235: {  	v18 =	vor.u32 $0x100, v1;
	v13 =	vld.idx.msk [tilespmem:v13+s20+$0x0], $0xffff;
	[tilespmem:s2+$0xFFFFFF70] =	vst v5  }
0x236: {  	v5 =	vor.u32 $0x100, v2;
	[tilespmem:s2+$0xFFFFFE80] =	vst v8;
	v8 =	vld.idx.msk [tilespmem:v19+s20+$0x0], $0xffff  }
0x237: {  	[tilespmem:s2+$0xFFFFFE60] =	vst v9;
	v9 =	vor.u32 $0x100, v3;
	v7 =	vld.idx.msk [tilespmem:v7+s20+$0x0], $0xffff  }
0x238: {  	[tilespmem:s2+$0xFFFFFE90] =	vst v15;
	v19 =	vor.u32 $0x100, v10;
	v14 =	vld.idx.msk [tilespmem:v14+s20+$0x0], $0xffff  }
0x239: {  	[tilespmem:s2+$0xFFFFFEA0] =	vst v17;
	v17 =	vor.u32 $0x100, v11;
	v16 =	vld.idx.msk [tilespmem:v16+s20+$0x0], $0xffff  }
0x23a: {  	v15 =	vor.u32 $0x200, v4;
	v18 =	vld.idx.msk [tilespmem:v18+s20+$0x0], $0xffff;
	[tilespmem:s2+$0xFFFFFEB0] =	vst v6  }
0x23b: {  	v6 =	vor.u32 $0x100, v12;
	v5 =	vld.idx.msk [tilespmem:v5+s20+$0x0], $0xffff;
	[tilespmem:s2+$0xFFFFFEC0] =	vst v13  }
0x23c: {  	v13 =	vor.u32 $0x180, v0;
	v9 =	vld.idx.msk [tilespmem:v9+s20+$0x0], $0xffff;
	[tilespmem:s2+$0xFFFFFED0] =	vst v8  }
0x23d: {  	[tilespmem:s2+$0xFFFFFFF0] =	vst v7;
	v7 =	vor.u32 $0x180, v1;
	v19 =	vld.idx.msk [tilespmem:v19+s20+$0x0], $0xffff  }
0x23e: {  	[tilespmem:s2+$0xFFFFFEE0] =	vst v14;
	v14 =	vld.idx.msk [tilespmem:v17+s20+$0x0], $0xffff;
	v17 =	vor.u32 $0x180, v3  }
0x23f: {  	v8 =	vld.idx.msk [tilespmem:v15+s20+$0x0], $0xffff;
	v15 =	vor.u32 $0x180, v2;
	[tilespmem:s2+$0xFFFFFF00] =	vst v16  }
0x240: {  	v16 =	vor.u32 $0x280, v4;
	[tilespmem:s2+$0xFFFFFF10] =	vst v18;
	v6 =	vld.idx.msk [tilespmem:v6+s20+$0x0], $0xffff  }
0x241: {  	v18 =	vor.u32 $0x180, v10;
	v13 =	vld.idx.msk [tilespmem:v13+s20+$0x0], $0xffff;
	[tilespmem:s2+$0xFFFFFF20] =	vst v5  }
0x242: {  	v5 =	vor.u32 $0x180, v11;
	[tilespmem:s2+$0xFFFFFF30] =	vst v9;
	v7 =	vld.idx.msk [tilespmem:v7+s20+$0x0], $0xffff  }
0x243: {  	v9 =	vor.u32 $0x180, v12;
	[tilespmem:s2+$0xFFFFFF40] =	vst v19;
	v17 =	vld.idx.msk [tilespmem:v17+s20+$0x0], $0xffff  }
0x244: {  	v15 =	vld.idx.msk [tilespmem:v15+s20+$0x0], $0xffff;
	[tilespmem:s2+$0x70] =	vst v8;
	v8 =	vor.u32 $0x200, v0  }
0x245: {  	v19 =	vor.u32 $0x200, v1;
	[tilespmem:s2+$0xFFFFFF50] =	vst v14;
	v16 =	vld.idx.msk [tilespmem:v16+s20+$0x0], $0xffff  }
0x246: {  	v14 =	vld.idx.msk [tilespmem:v18+s20+$0x0], $0xffff;
	[tilespmem:s2+$0xFFFFFF60] =	vst v6;
	v6 =	vor.u32 $0x300, v4  }
0x247: {  	v18 =	vor.u32 $0x200, v2;
	[tilespmem:s2+$0xFFFFFF80] =	vst v13;
	v5 =	vld.idx.msk [tilespmem:v5+s20+$0x0], $0xffff  }
0x248: {  	v13 =	vor.u32 $0x200, v3;
	[tilespmem:s2+$0xFFFFFF90] =	vst v7;
	v7 =	vld.idx.msk [tilespmem:v9+s20+$0x0], $0xffff  }
0x249: {  	v9 =	vor.u32 $0x200, v10;
	v8 =	vld.idx.msk [tilespmem:v8+s20+$0x0], $0xffff;
	[tilespmem:s2+$0xFFFFFFA0] =	vst v15  }
0x24a: {  	v15 =	vor.u32 $0x200, v11;
	v19 =	vld.idx.msk [tilespmem:v19+s20+$0x0], $0xffff;
	[tilespmem:s2+$0xF0] =	vst v16  }
0x24b: {  	[tilespmem:s2+$0xFFFFFFB0] =	vst v17;
	v16 =	vor.u32 $0x200, v12;
	v6 =	vld.idx.msk [tilespmem:v6+s20+$0x0], $0xffff  }
0x24c: {  	v17 =	vor.u32 $0x280, v0;
	v18 =	vld.idx.msk [tilespmem:v18+s20+$0x0], $0xffff;
	[tilespmem:s2+$0xFFFFFFC0] =	vst v14  }
0x24d: {  	v4 =	vor.u32 $0x380, v4;
	v13 =	vld.idx.msk [tilespmem:v13+s20+$0x0], $0xffff;
	[tilespmem:s2+$0xFFFFFFD0] =	vst v5  }
0x24e: {  	v5 =	vor.u32 $0x280, v1;
	v9 =	vld.idx.msk [tilespmem:v9+s20+$0x0], $0xffff;
	[tilespmem:s2+$0xFFFFFFE0] =	vst v7  }
0x24f: {  	v7 =	vor.u32 $0x280, v2;
	[tilespmem:s2+$0x0] =	vst v8;
	v8 =	vld.idx.msk [tilespmem:v15+s20+$0x0], $0xffff  }
0x250: {  	v14 =	vor.u32 $0x280, v3;
	[tilespmem:s2+$0x10] =	vst v19;
	v15 =	vld.idx.msk [tilespmem:v16+s20+$0x0], $0xffff  }
0x251: {  	v16 =	vor.u32 $0x280, v10;
	v17 =	vld.idx.msk [tilespmem:v17+s20+$0x0], $0xffff;
	[tilespmem:s2+$0x170] =	vst v6  }
0x252: {  	v6 =	vor.u32 $0x280, v11;
	[tilespmem:s2+$0x20] =	vst v18;
	v4 =	vld.idx.msk [tilespmem:v4+s20+$0x0], $0xffff  }
0x253: {  	v18 =	vor.u32 $0x280, v12;
	v5 =	vld.idx.msk [tilespmem:v5+s20+$0x0], $0xffff;
	[tilespmem:s2+$0x30] =	vst v13  }
0x254: {  	v13 =	vor.u32 $0x300, v0;
	v7 =	vld.idx.msk [tilespmem:v7+s20+$0x0], $0xffff;
	[tilespmem:s2+$0x40] =	vst v9  }
0x255: {  	v9 =	vor.u32 $0x300, v1;
	v19 =	vld.idx.msk [tilespmem:v14+s20+$0x0], $0xffff;
	[tilespmem:s2+$0x50] =	vst v8  }
0x256: {  	v20 =	vor.u32 $0x300, v2;
	v21 =	vld.idx.msk [tilespmem:v16+s20+$0x0], $0xffff;
	[tilespmem:s2+$0x60] =	vst v15  }
0x257: {  	v22 =	vor.u32 $0x300, v3;
	[tilespmem:s2+$0x80] =	vst v17;
	v17 =	vld.idx.msk [tilespmem:v6+s20+$0x0], $0xffff  }
0x258: {  	v23 =	vor.u32 $0x300, v10;
	v15 =	vld.idx.msk [tilespmem:v18+s20+$0x0], $0xffff;
	[tilespmem:s2+$0x1F0] =	vst v4  }
0x259: {  	v14 =	vld.idx.msk [tilespmem:v13+s20+$0x0], $0xffff;
	[tilespmem:s2+$0x90] =	vst v5  }
0x25a: {  	v13 =	vld.idx.msk [tilespmem:v9+s20+$0x0], $0xffff;
	[tilespmem:s2+$0xA0] =	vst v7  }
0x25b: {  	v8 =	vor.u32 $0x300, v11;
	v6 =	vor.u32 $0x380, v1;
	v1 =	vor.u32 $0x380, v11;
	[tilespmem:s2+$0xB0] =	vst v19;
	v16 =	vld.idx.msk [tilespmem:v20+s20+$0x0], $0xffff  }
0x25c: {  	v5 =	vor.u32 $0x380, v2;
	v4 =	vor.u32 $0x380, v3;
	v2 =	vor.u32 $0x380, v10;
	v3 =	vld.idx.msk [tilespmem:v22+s20+$0x0], $0xffff;
	[tilespmem:s2+$0xC0] =	vst v21  }
0x25d: {  	s9 =	simm.s32 $0x0;
	s7 =	simm.s32 $0xC0;
	s3 =	simm.s32 $0x14A00;
	v7 =	vor.u32 $0x380, v0;
	v9 =	vor.u32 $0x300, v12;
	v0 =	vor.u32 $0x380, v12;
	v10 =	vld.idx.msk [tilespmem:v23+s20+$0x0], $0xffff;
	[tilespmem:s2+$0xD0] =	vst v17  }
.LBB2_9:
0x25e: {  	v11 =	vld [tilespmem:s7+$0x30];
	s9 =	sadd.s32 $0x8, s9;
	[tilespmem:s2+$0xE0] =	vst v15  }
0x25f: {  	v12 =	vld [tilespmem:s7+$0xFFFFFFD0];
	p0 =	slt.u32 s9, $0x78;
	[tilespmem:s2+$0x100] =	vst v14  }
0x260: {  	v14 =	vld [tilespmem:s7+$0xFFFFFFE0];
	[tilespmem:s2+$0x110] =	vst v13  }
0x261: {  	v13 =	vld [tilespmem:s7+$0xFFFFFFF0];
	[tilespmem:s2+$0x120] =	vst v16  }
0x262: {  	v15 =	vld [tilespmem:s7+$0x0];
	[tilespmem:s2+$0x130] =	vst v3  }
0x263: {  	v16 =	vld [tilespmem:s7+$0x10];
	v3 =	vshll.u32 v11, $0x3;
	[tilespmem:s2+$0x140] =	vst v10  }
0x264: {  	v11 =	vand.u32 $0x7F, v11;
	v10 =	vshll.u32 v12, $0x3;
	v17 =	vld [tilespmem:s7+$0x20];
	v3 =	vand.u32 $0xFFFFFC00, v3  }
0x265: {  	v18 =	vld [tilespmem:s7+$0xFFFFFFC0];
	v10 =	vand.u32 $0xFFFFFC00, v10;
	v19 =	vshll.u32 v14, $0x3;
	v3 =	vor.u32 v11, v3  }
0x266: {  	v11 =	vand.u32 $0x7F, v12;
	v12 =	vand.u32 $0xFFFFFC00, v19;
	v19 =	vshll.u32 v13, $0x3;
	v8 =	vld.idx.msk [tilespmem:v8+s20+$0x0], $0xffff  }
0x267: {  	v14 =	vand.u32 $0x7F, v14;
	v19 =	vand.u32 $0xFFFFFC00, v19;
	v20 =	vshll.u32 v15, $0x3;
	v9 =	vld.idx.msk [tilespmem:v9+s20+$0x0], $0xffff  }
0x268: {  	v13 =	vand.u32 $0x7F, v13;
	v20 =	vand.u32 $0xFFFFFC00, v20;
	v21 =	vshll.u32 v16, $0x3;
	v7 =	vld.idx.msk [tilespmem:v7+s20+$0x0], $0xffff  }
0x269: {  	v15 =	vand.u32 $0x7F, v15;
	v21 =	vand.u32 $0xFFFFFC00, v21;
	v22 =	vshll.u32 v17, $0x3;
	v6 =	vld.idx.msk [tilespmem:v6+s20+$0x0], $0xffff  }
0x26a: {  	v23 =	vand.u32 $0x7F, v18;
	v18 =	vshll.u32 v18, $0x3;
	v22 =	vand.u32 $0xFFFFFC00, v22;
	v24 =	vld.idx.msk [tilespmem:v3+s20+$0x0], $0xffff  }
0x26b: {  	v16 =	vand.u32 $0x7F, v16;
	v17 =	vand.u32 $0x7F, v17;
	v18 =	vand.u32 $0xFFFFFC00, v18;
	v5 =	vld.idx.msk [tilespmem:v5+s20+$0x0], $0xffff  }
0x26c: {  	v25 =	vor.u32 v11, v10;
	v10 =	vor.u32 $0x80, v3;
	v23 =	vor.u32 v23, v18;
	v4 =	vld.idx.msk [tilespmem:v4+s20+$0x0], $0xffff;
	[tilespmem:s2+$0x150] =	vst v8  }
0x26d: {  	v26 =	vor.u32 v14, v12;
	v27 =	vor.u32 v13, v19;
	v28 =	vor.u32 v15, v20;
	[tilespmem:s2+$0x160] =	vst v9  }
0x26e: {  	v21 =	vor.u32 v16, v21;
	v22 =	vor.u32 v17, v22;
	v8 =	vor.u32 $0x80, v23;
	[tilespmem:s2+$0x180] =	vst v7;
	v2 =	vld.idx.msk [tilespmem:v2+s20+$0x0], $0xffff  }
0x26f: {  	v29 =	vor.u32 $0x80, v27;
	v9 =	vor.u32 $0x80, v26;
	v7 =	vor.u32 $0x80, v25;
	s2 =	sadd.s32 $0x400, s2;
	[tilespmem:s3+$0x190] =	vst v6;
	v1 =	vld.idx.msk [tilespmem:v1+s20+$0x0], $0xffff  }
0x270: {  	v30 =	vor.u32 $0x80, v28;
	v31 =	vor.u32 $0x80, v21;
	v32 =	vor.u32 $0x80, v22;
	[tilespmem:s2+$0xFFFFFE70] =	vst v24;
	v0 =	vld.idx.msk [tilespmem:v0+s20+$0x0], $0xffff  }
0x271: {  	v33 =	vor.u32 $0x100, v25;
	v34 =	vor.u32 $0x100, v26;
	v24 =	vor.u32 $0x100, v23;
	v6 =	vld.idx.msk [tilespmem:v10+s20+$0x0], $0xffff;
	[tilespmem:s3+$0x1A0] =	vst v5  }
0x272: {  	v35 =	vor.u32 $0x100, v27;
	v36 =	vor.u32 $0x100, v28;
	v37 =	vor.u32 $0x100, v21;
	v5 =	vld.idx.msk [tilespmem:v23+s20+$0x0], $0xffff;
	[tilespmem:s3+$0x1B0] =	vst v4  }
0x273: {  	v39 =	vor.u32 $0x100, v22;
	v38 =	vor.u32 $0x180, v23;
	v10 =	vor.u32 $0x100, v3;
	v4 =	vld.idx.msk [tilespmem:v25+s20+$0x0], $0xffff  }
0x274: {  	v40 =	vor.u32 $0x180, v25;
	v41 =	vor.u32 $0x180, v26;
	v42 =	vor.u32 $0x180, v27;
	v11 =	vld.idx.msk [tilespmem:v26+s20+$0x0], $0xffff;
	[tilespmem:s3+$0x1C0] =	vst v2  }
0x275: {  	v43 =	vor.u32 $0x180, v28;
	v44 =	vor.u32 $0x180, v21;
	v45 =	vor.u32 $0x180, v22;
	v2 =	vld.idx.msk [tilespmem:v27+s20+$0x0], $0xffff;
	[tilespmem:s3+$0x1D0] =	vst v1  }
0x276: {  	v47 =	vor.u32 $0x200, v25;
	v48 =	vor.u32 $0x200, v26;
	v46 =	vor.u32 $0x200, v23;
	v1 =	vld.idx.msk [tilespmem:v28+s20+$0x0], $0xffff;
	[tilespmem:s3+$0x1E0] =	vst v0;
	s3 =	smov.u32 s2  }
0x277: {  	v49 =	vor.u32 $0x200, v27;
	v50 =	vor.u32 $0x200, v28;
	v51 =	vor.u32 $0x200, v21;
	v0 =	vld.idx.msk [tilespmem:v21+s20+$0x0], $0xffff;
	[tilespmem:s2+$0xFFFFFEF0] =	vst v6  }
0x278: {  	v18 =	vor.u32 $0x280, v25;
	v53 =	vor.u32 $0x200, v22;
	v52 =	vor.u32 $0x280, v23;
	[tilespmem:s2+$0xFFFFFE00] =	vst v5;
	v54 =	vld.idx.msk [tilespmem:v10+s20+$0x0], $0xffff  }
0x279: {  	v20 =	vor.u32 $0x280, v26;
	v19 =	vor.u32 $0x280, v27;
	v15 =	vor.u32 $0x280, v28;
	[tilespmem:s2+$0xFFFFFE10] =	vst v4;
	v55 =	vld.idx.msk [tilespmem:v22+s20+$0x0], $0xffff  }
0x27a: {  	v57 =	vor.u32 $0x180, v3;
	v17 =	vor.u32 $0x280, v21;
	v16 =	vor.u32 $0x280, v22;
	v56 =	vld.idx.msk [tilespmem:v8+s20+$0x0], $0xffff;
	[tilespmem:s2+$0xFFFFFE20] =	vst v11  }
0x27b: {  	v13 =	vor.u32 $0x300, v25;
	v14 =	vor.u32 $0x300, v23;
	v10 =	vor.u32 $0x300, v26;
	v58 =	vld.idx.msk [tilespmem:v7+s20+$0x0], $0xffff;
	[tilespmem:s2+$0xFFFFFE30] =	vst v2  }
0x27c: {  	v12 =	vor.u32 $0x300, v27;
	v11 =	vor.u32 $0x300, v28;
	v8 =	vor.u32 $0x300, v21;
	v59 =	vld.idx.msk [tilespmem:v9+s20+$0x0], $0xffff;
	[tilespmem:s2+$0xFFFFFE40] =	vst v1  }
0x27d: {  	v6 =	vor.u32 $0x380, v25;
	v7 =	vor.u32 $0x380, v23;
	v9 =	vor.u32 $0x300, v22;
	v23 =	vld.idx.msk [tilespmem:v29+s20+$0x0], $0xffff;
	[tilespmem:s2+$0xFFFFFE50] =	vst v0  }
0x27e: {  	v5 =	vor.u32 $0x380, v26;
	v4 =	vor.u32 $0x380, v27;
	v2 =	vor.u32 $0x380, v28;
	v25 =	vld.idx.msk [tilespmem:v30+s20+$0x0], $0xffff;
	[tilespmem:s2+$0xFFFFFF70] =	vst v54  }
0x27f: {  	v1 =	vor.u32 $0x380, v21;
	v0 =	vor.u32 $0x380, v22;
	[tilespmem:s2+$0xFFFFFE60] =	vst v55;
	v21 =	vld.idx.msk [tilespmem:v57+s20+$0x0], $0xffff  }
0x280: {  	[tilespmem:s2+$0xFFFFFE80] =	vst v56;
	v22 =	vld.idx.msk [tilespmem:v31+s20+$0x0], $0xffff  }
0x281: {  	v27 =	vor.u32 $0x200, v3;
	[tilespmem:s2+$0xFFFFFE90] =	vst v58;
	v26 =	vld.idx.msk [tilespmem:v32+s20+$0x0], $0xffff  }
0x282: {  	v24 =	vld.idx.msk [tilespmem:v24+s20+$0x0], $0xffff;
	[tilespmem:s2+$0xFFFFFEA0] =	vst v59  }
0x283: {  	v28 =	vld.idx.msk [tilespmem:v33+s20+$0x0], $0xffff;
	[tilespmem:s2+$0xFFFFFEB0] =	vst v23  }
0x284: {  	v23 =	vld.idx.msk [tilespmem:v34+s20+$0x0], $0xffff;
	[tilespmem:s2+$0xFFFFFEC0] =	vst v25  }
0x285: {  	v25 =	vld.idx.msk [tilespmem:v35+s20+$0x0], $0xffff;
	[tilespmem:s2+$0xFFFFFFF0] =	vst v21  }
0x286: {  	[tilespmem:s2+$0xFFFFFED0] =	vst v22;
	v21 =	vld.idx.msk [tilespmem:v27+s20+$0x0], $0xffff  }
0x287: {  	v22 =	vld.idx.msk [tilespmem:v36+s20+$0x0], $0xffff;
	[tilespmem:s2+$0xFFFFFEE0] =	vst v26  }
0x288: {  	v26 =	vor.u32 $0x280, v3;
	[tilespmem:s2+$0xFFFFFF00] =	vst v24;
	v24 =	vld.idx.msk [tilespmem:v37+s20+$0x0], $0xffff  }
0x289: {  	[tilespmem:s2+$0xFFFFFF10] =	vst v28;
	v27 =	vld.idx.msk [tilespmem:v39+s20+$0x0], $0xffff  }
0x28a: {  	v28 =	vld.idx.msk [tilespmem:v38+s20+$0x0], $0xffff;
	[tilespmem:s2+$0xFFFFFF20] =	vst v23  }
0x28b: {  	v23 =	vld.idx.msk [tilespmem:v40+s20+$0x0], $0xffff;
	[tilespmem:s2+$0xFFFFFF30] =	vst v25  }
0x28c: {  	v25 =	vld.idx.msk [tilespmem:v41+s20+$0x0], $0xffff;
	[tilespmem:s2+$0x70] =	vst v21  }
0x28d: {  	[tilespmem:s2+$0xFFFFFF40] =	vst v22;
	v21 =	vld.idx.msk [tilespmem:v26+s20+$0x0], $0xffff  }
0x28e: {  	v22 =	vld.idx.msk [tilespmem:v42+s20+$0x0], $0xffff;
	[tilespmem:s2+$0xFFFFFF50] =	vst v24  }
0x28f: {  	v26 =	vor.u32 $0x300, v3;
	v24 =	vld.idx.msk [tilespmem:v43+s20+$0x0], $0xffff;
	[tilespmem:s2+$0xFFFFFF60] =	vst v27  }
0x290: {  	[tilespmem:s2+$0xFFFFFF80] =	vst v28;
	v27 =	vld.idx.msk [tilespmem:v44+s20+$0x0], $0xffff  }
0x291: {  	[tilespmem:s2+$0xFFFFFF90] =	vst v23;
	v23 =	vld.idx.msk [tilespmem:v45+s20+$0x0], $0xffff  }
0x292: {  	v28 =	vld.idx.msk [tilespmem:v46+s20+$0x0], $0xffff;
	[tilespmem:s2+$0xFFFFFFA0] =	vst v25  }
0x293: {  	v25 =	vld.idx.msk [tilespmem:v47+s20+$0x0], $0xffff;
	[tilespmem:s2+$0xF0] =	vst v21  }
0x294: {  	[tilespmem:s2+$0xFFFFFFB0] =	vst v22;
	v21 =	vld.idx.msk [tilespmem:v26+s20+$0x0], $0xffff  }
0x295: {  	v22 =	vld.idx.msk [tilespmem:v48+s20+$0x0], $0xffff;
	[tilespmem:s2+$0xFFFFFFC0] =	vst v24  }
0x296: {  	v3 =	vor.u32 $0x380, v3;
	v24 =	vld.idx.msk [tilespmem:v49+s20+$0x0], $0xffff;
	[tilespmem:s2+$0xFFFFFFD0] =	vst v27  }
0x297: {  	v26 =	vld.idx.msk [tilespmem:v50+s20+$0x0], $0xffff;
	[tilespmem:s2+$0xFFFFFFE0] =	vst v23  }
0x298: {  	[tilespmem:s2+$0x0] =	vst v28;
	v23 =	vld.idx.msk [tilespmem:v51+s20+$0x0], $0xffff  }
0x299: {  	[tilespmem:s2+$0x10] =	vst v25;
	v25 =	vld.idx.msk [tilespmem:v53+s20+$0x0], $0xffff  }
0x29a: {  	v27 =	vld.idx.msk [tilespmem:v52+s20+$0x0], $0xffff;
	[tilespmem:s2+$0x170] =	vst v21  }
0x29b: {  	[tilespmem:s2+$0x20] =	vst v22;
	v3 =	vld.idx.msk [tilespmem:v3+s20+$0x0], $0xffff  }
0x29c: {  	v18 =	vld.idx.msk [tilespmem:v18+s20+$0x0], $0xffff;
	[tilespmem:s2+$0x30] =	vst v24  }
0x29d: {  	v20 =	vld.idx.msk [tilespmem:v20+s20+$0x0], $0xffff;
	[tilespmem:s2+$0x40] =	vst v26  }
0x29e: {  	v19 =	vld.idx.msk [tilespmem:v19+s20+$0x0], $0xffff;
	[tilespmem:s2+$0x50] =	vst v23  }
0x29f: {  	v21 =	vld.idx.msk [tilespmem:v15+s20+$0x0], $0xffff;
	[tilespmem:s2+$0x60] =	vst v25  }
0x2a0: {  	[tilespmem:s2+$0x80] =	vst v27;
	v17 =	vld.idx.msk [tilespmem:v17+s20+$0x0], $0xffff  }
0x2a1: {  	v15 =	vld.idx.msk [tilespmem:v16+s20+$0x0], $0xffff;
	[tilespmem:s2+$0x1F0] =	vst v3  }
.Ltmp3:
0x2a2: {  	v14 =	vld.idx.msk [tilespmem:v14+s20+$0x0], $0xffff;
	[tilespmem:s2+$0x90] =	vst v18;
	(pc) =	sbr.rel @p0 .LBB2_9-.Ltmp3, $4  }
0x2a3: {  	v13 =	vld.idx.msk [tilespmem:v13+s20+$0x0], $0xffff;
	[tilespmem:s2+$0xA0] =	vst v20  }
0x2a4: {  	v16 =	vld.idx.msk [tilespmem:v10+s20+$0x0], $0xffff;
	[tilespmem:s2+$0xB0] =	vst v19  }
0x2a5: {  	v3 =	vld.idx.msk [tilespmem:v12+s20+$0x0], $0xffff;
	[tilespmem:s2+$0xC0] =	vst v21  }
0x2a6: {  	s7 =	sadd.s32 $0x80, s7;
	v10 =	vld.idx.msk [tilespmem:v11+s20+$0x0], $0xffff;
	[tilespmem:s2+$0xD0] =	vst v17  }
0x2a7: {  	_ =	sdelay $0x2  }
0x2a8: {  	[tilespmem:s2+$0xE0] =	vst v15  }
0x2a9: {  	[tilespmem:s2+$0x100] =	vst v14;
	v8 =	vld.idx.msk [tilespmem:v8+s20+$0x0], $0xffff  }
0x2aa: {  	[tilespmem:s2+$0x110] =	vst v13;
	v9 =	vld.idx.msk [tilespmem:v9+s20+$0x0], $0xffff  }
0x2ab: {  	v7 =	vld.idx.msk [tilespmem:v7+s20+$0x0], $0xffff;
	[tilespmem:s2+$0x120] =	vst v16  }
0x2ac: {  	v63 =	vld.idx.msk [tilespmem:v6+s20+$0x0], $0xffff;
	[tilespmem:s2+$0x130] =	vst v3  }
0x2ad: {  	v5 =	vld.idx.msk [tilespmem:v5+s20+$0x0], $0xffff;
	[tilespmem:s2+$0x140] =	vst v10  }
0x2ae: {  	v4 =	vld.idx.msk [tilespmem:v4+s20+$0x0], $0xffff;
	[tilespmem:s2+$0x150] =	vst v8  }
0x2af: {  	v2 =	vld.idx.msk [tilespmem:v2+s20+$0x0], $0xffff;
	[tilespmem:s2+$0x160] =	vst v9  }
0x2b0: {  	[tilespmem:s2+$0x180] =	vst v7;
	v1 =	vld.idx.msk [tilespmem:v1+s20+$0x0], $0xffff  }
0x2b1: {  	s31 =	sadd.s32 $0x1, s31;
	[tilespmem:s3+$0x190] =	vst v63;
	v0 =	vld.idx.msk [tilespmem:v0+s20+$0x0], $0xffff  }
0x2b2: {  	p0 =	sne.s32 s31, $0x8;
	[tilespmem:s3+$0x1A0] =	vst v5  }
.Ltmp4:
0x2b3: {  	[tilespmem:s3+$0x1B0] =	vst v4;
	(pc) =	sbr.rel @p0 .LBB2_2-.Ltmp4, $4  }
0x2b4: {  	[tilespmem:s3+$0x1C0] =	vst v2  }
0x2b5: {  	[tilespmem:s3+$0x1D0] =	vst v1  }
0x2b6: {  	s0 =	sadd.s32 s4, s0;
	[tilespmem:s3+$0x1E0] =	vst v0  }
0x2b7: {  	[hbm4b:s0+s5] =	stream.linear.scatter [tilespmem:s24], [sflag:$0x6], $0x4000, $0x38;
	[tilespmem:$0x18800] =	vst v63  }
0x2b8: {  	_ =	swait.ge [sflag:s25], $0x4000  }
0x2b9: {  	[sflag:s25] =	ssyncset.done $0x0  }
0x2ba: {  	[sflag:s25] =	ssyncadd.s32 $0xFFFFC000  }
0x2bb: {  	_ =	swait.ge [sflag:s28], $0x4000  }
0x2bc: {  	s30 =	sadd.s32 $0x1, s30;
	s0 =	rddreg [dreg:$0x7]  }
0x2bd: {  	p0 =	sne.s32 s30, s0  }
.Ltmp5:
0x2be: {  	_ = 	snop;
	(pc) =	sbr.rel @p0 .LBB2_1-.Ltmp5, $3  }
0x2bf: {  	_ =	sdelay $0x1  }
0x2c0: {  	[sflag:s28] =	ssyncset.done $0x0  }
0x2c1: {  	[sflag:s28] =	ssyncadd.s32 $0xFFFFC000  }
0x2c2: {  	_ =	sfence.sel $0x180000  }
0x2c3: {  	[bflag:$0x0] =	sbarrier.arrive $0xFFFF  }
0x2c4: {  	_ =	strace $0x90000047  }
0x2c5: {  	s0 =	stileid.u32;
	[bflag:$0x2] =	sbarrier.arrive $0xFFFF  }
0x2c6: {  	p0 =	sne.s32 s0, $0x0;
	s0 =	rddreg [dreg:$0x3]  }
0x2c7: {  	s0 =	sadd.s32 @!p0 $0x100000, s0  }
0x2c8: {  	[sflag:s0] =	ssyncadd.tile.s32 @!p0 $0x1;
	_ =	shalt  }
.Lfunc_end2:
_tile_overlayer_lowered:
.L_overlay_start_2:
0x2c9: {  	(tag) =	ssettag $0x2  }
0x2ca: {  	s0 =	rddreg [dreg:$0x0];
	s2 =	stileid.u32  }
0x2cb: {  	s1 =	rddreg [dreg:$0x1];
	p0 =	sne.s32 s2, $0x0  }
0x2cc: {  	s3 =	rddreg [dreg:$0x2];
	[bflag:$0x3] =	sbarrier.arrive $0xFFFF;
	s2 =	simm.s32 @!p0 $0x1C07  }
0x2cd: {  	[timem:s3], [sflag:s2] =	dma.local @!p0 [hbm:s0], s1  }
0x2ce: {  	s0 =	simm.s32 @!p0 $0x7  }
0x2cf: {  	_ =	swait.ge @!p0 [sflag:s0], s1  }
0x2d0: {  	s1 =	ssub.s32 @!p0 $0x0, s1;
	[sflag:s0] =	ssyncset.done @!p0 $0x0  }
0x2d1: {  	[sflag:s0] =	ssyncadd.s32 @!p0 s1  }
0x2d2: {  	[bflag:$0x3] =	sbarrier.arrive $0xFFFF  }
0x2d3: {  	_ =	shalt  }

</sc_bundles>
